<compile_context>
chip_gen: v7x
topology: tpu7x:2x2x1
jax: 0.10.2.dev20260603
libtpu: 0.0.44.dev20260713+nightly
codegen_flags: <defaults>
</compile_context>

<pallas_src>
import functools

import jax
import jax.numpy as jnp
from jax import lax
from jax.experimental import pallas as pl
from jax.experimental.pallas import tpu as pltpu
from jax.experimental.pallas import tpu_sc as plsc

N_NODES = 10000
D_FEAT = 128
D_HID = 16

N_PAD = 10240
NW = 32
IDX_W = 128
TILE_ROWS = 80
E_PAD = NW * TILE_ROWS * IDX_W
R_IDX = E_PAD // IDX_W
STRIPE = N_PAD // 16

TCHUNKS = R_IDX // NW
NBANK = 4

_MESH = plsc.VectorSubcoreMesh(core_axis_name="c", subcore_axis_name="s")


@functools.partial(
    pl.kernel,
    out_type=jax.ShapeDtypeStruct((2, N_PAD), jnp.float32),
    mesh=_MESH,
    scratch_types=[
        pltpu.VMEM((TILE_ROWS, IDX_W), jnp.int32),
        pltpu.VMEM((IDX_W,), jnp.float32),
        pltpu.VMEM((STRIPE,), jnp.float32),
        pltpu.VMEM_SHARED((N_PAD,), jnp.float32),
    ],
)
def _deg_kernel(dst_hbm, out_hbm, idx_v, ones_v, zv, acc_sh):
    c = lax.axis_index("c")
    s = lax.axis_index("s")
    wid = c * 16 + s

    def _zero(i, carry):
        zv[pl.ds(i * 16, 16)] = jnp.zeros((16,), jnp.float32)
        return carry

    lax.fori_loop(0, STRIPE // 16, _zero, 0)
    for i in range(IDX_W // 16):
        ones_v[pl.ds(i * 16, 16)] = jnp.ones((16,), jnp.float32)
    pltpu.sync_copy(zv, acc_sh.at[pl.ds(s * STRIPE, STRIPE)])
    pltpu.sync_copy(dst_hbm.at[pl.ds(wid * TILE_ROWS, TILE_ROWS)], idx_v)
    plsc.subcore_barrier()

    def _scat(j, carry):
        pltpu.sync_copy(ones_v, acc_sh.at[idx_v.at[j]], add=True)
        return carry

    lax.fori_loop(0, TILE_ROWS, _scat, 0)
    plsc.subcore_barrier()
    pltpu.sync_copy(acc_sh.at[pl.ds(s * STRIPE, STRIPE)],
                    out_hbm.at[c, pl.ds(s * STRIPE, STRIPE)])


@functools.partial(
    pl.kernel,
    out_type=jax.ShapeDtypeStruct((2, N_PAD, D_HID), jnp.float32),
    mesh=_MESH,
    compiler_params=pltpu.CompilerParams(use_tc_tiling_on_sc=False),
    scratch_types=[
        pltpu.VMEM((TCHUNKS, IDX_W), jnp.int32),
        pltpu.VMEM((TCHUNKS, IDX_W), jnp.int32),
        pltpu.VMEM((NBANK, IDX_W, D_HID), jnp.float32),
        pltpu.VMEM_SHARED((N_PAD, D_HID), jnp.float32),
        pltpu.VMEM_SHARED((N_PAD, D_HID), jnp.float32),
        pltpu.SemaphoreType.DMA,
        pltpu.SemaphoreType.DMA,
    ],
)
def _edge_scatter(tab_hbm, src_hbm, dst_hbm, out_hbm,
                  srcv, dstv, rows, tab_sh, acc_sh, gsem, ssem):
    c = lax.axis_index("c")
    s = lax.axis_index("s")
    wid = c * 16 + s
    stripe = N_PAD // 16

    def _zero(i, carry):
        rows[NBANK - 1, i] = jnp.zeros((D_HID,), jnp.float32)
        return carry

    lax.fori_loop(0, IDX_W, _zero, 0)

    def _zcopy(i, carry):
        pltpu.sync_copy(rows.at[NBANK - 1],
                        acc_sh.at[pl.ds(s * stripe + i * IDX_W, IDX_W)])
        return carry

    lax.fori_loop(0, stripe // IDX_W, _zcopy, 0)
    pltpu.sync_copy(src_hbm.at[pl.ds(wid * TCHUNKS, TCHUNKS)], srcv)
    pltpu.sync_copy(dst_hbm.at[pl.ds(wid * TCHUNKS, TCHUNKS)], dstv)
    pltpu.sync_copy(tab_hbm.at[pl.ds(s * stripe, stripe)],
                    tab_sh.at[pl.ds(s * stripe, stripe)])
    plsc.subcore_barrier()

    def _gather(k, b):
        pltpu.async_copy(tab_sh.at[srcv.at[k]], rows.at[b], gsem)

    def _wait_gather(k, b):
        pltpu.make_async_copy(tab_sh.at[srcv.at[k]], rows.at[b],
                              gsem).wait()

    def _scatter(k, b):
        pltpu.async_copy(rows.at[b], acc_sh.at[dstv.at[k]], ssem, add=True)

    def _drain_scatter(k, b):
        pltpu.make_async_copy(rows.at[b], acc_sh.at[dstv.at[k]],
                              ssem).wait()

    for b in range(NBANK):
        _gather(b, b)

    def _span(i, carry):
        k0 = i * NBANK
        for b in range(NBANK):
            _wait_gather(k0 + b, b)
            _scatter(k0 + b, b)
        for b in range(NBANK):
            _drain_scatter(k0 + b, b)

            @pl.when(k0 + b + NBANK < TCHUNKS)
            def _():
                _gather(k0 + b + NBANK, b)

        return carry

    lax.fori_loop(0, TCHUNKS // NBANK, _span, 0)
    plsc.subcore_barrier()
    pltpu.sync_copy(acc_sh.at[pl.ds(s * stripe, stripe)],
                    out_hbm.at[c, pl.ds(s * stripe, stripe)])


def _tc1_body(dega_ref, degb_ref, x_ref, w1_ref, y_ref, dis_ref):
    deg = dega_ref[...] + degb_ref[...] + 1.0
    dis = lax.rsqrt(deg)
    xw = jnp.dot(x_ref[...], w1_ref[...], preferred_element_type=jnp.float32)
    y_ref[...] = dis * xw
    dis_ref[...] = dis


def _tc2_body(aa_ref, ab_ref, y_ref, dis_ref, b1_ref, w2_ref, t_ref):
    dis = dis_ref[...]
    pre = (aa_ref[...] + ab_ref[...] + y_ref[...]) * dis + b1_ref[...]
    h = jnp.maximum(pre, 0.0)
    t_ref[...] = dis * jnp.dot(h, w2_ref[...],
                               preferred_element_type=jnp.float32)


def _tc3_body(aa_ref, ab_ref, t_ref, dis_ref, b2_ref, o_ref):
    o = (aa_ref[...] + ab_ref[...] + t_ref[...]) * dis_ref[...] + b2_ref[...]
    m = jnp.max(o, axis=1, keepdims=True)
    e = jnp.exp(o - m)
    lse = jnp.log(jnp.sum(e, axis=1, keepdims=True)) + m
    o_ref[...] = o - lse


_GRID = 16
_BR = N_PAD // _GRID

_tc1 = pl.pallas_call(
    _tc1_body,
    grid=(_GRID,),
    in_specs=[
        pl.BlockSpec((_BR, 1), lambda i: (i, 0)),
        pl.BlockSpec((_BR, 1), lambda i: (i, 0)),
        pl.BlockSpec((_BR, D_FEAT), lambda i: (i, 0)),
        pl.BlockSpec((D_FEAT, D_HID), lambda i: (0, 0)),
    ],
    out_specs=[
        pl.BlockSpec((_BR, D_HID), lambda i: (i, 0)),
        pl.BlockSpec((_BR, 1), lambda i: (i, 0)),
    ],
    out_shape=[
        jax.ShapeDtypeStruct((N_PAD, D_HID), jnp.float32),
        jax.ShapeDtypeStruct((N_PAD, 1), jnp.float32),
    ],
)

_tc2 = pl.pallas_call(
    _tc2_body,
    grid=(_GRID,),
    in_specs=[
        pl.BlockSpec((_BR, D_HID), lambda i: (i, 0)),
        pl.BlockSpec((_BR, D_HID), lambda i: (i, 0)),
        pl.BlockSpec((_BR, D_HID), lambda i: (i, 0)),
        pl.BlockSpec((_BR, 1), lambda i: (i, 0)),
        pl.BlockSpec((1, D_HID), lambda i: (0, 0)),
        pl.BlockSpec((D_HID, D_HID), lambda i: (0, 0)),
    ],
    out_specs=pl.BlockSpec((_BR, D_HID), lambda i: (i, 0)),
    out_shape=jax.ShapeDtypeStruct((N_PAD, D_HID), jnp.float32),
)

_tc3 = pl.pallas_call(
    _tc3_body,
    grid=(_GRID,),
    in_specs=[
        pl.BlockSpec((_BR, D_HID), lambda i: (i, 0)),
        pl.BlockSpec((_BR, D_HID), lambda i: (i, 0)),
        pl.BlockSpec((_BR, D_HID), lambda i: (i, 0)),
        pl.BlockSpec((_BR, 1), lambda i: (i, 0)),
        pl.BlockSpec((1, D_HID), lambda i: (0, 0)),
    ],
    out_specs=pl.BlockSpec((_BR, D_HID), lambda i: (i, 0)),
    out_shape=jax.ShapeDtypeStruct((N_PAD, D_HID), jnp.float32),
)


def kernel(x, edge_index, W1, b1, W2, b2):
    f32 = jnp.float32
    src = edge_index[0].astype(jnp.int32)
    dst = edge_index[1].astype(jnp.int32)
    pad_e = E_PAD - src.shape[0]
    pad_idx = jnp.full((pad_e,), N_NODES, jnp.int32)
    src_p = jnp.concatenate([src, pad_idx])
    dst_p = jnp.concatenate([dst, pad_idx])
    dst2 = dst_p.reshape(R_IDX, IDX_W)
    x_p = jnp.pad(x.astype(f32), ((0, N_PAD - N_NODES), (0, 0)))

    degp = _deg_kernel(dst2)
    dega = degp[0].reshape(N_PAD, 1)
    degb = degp[1].reshape(N_PAD, 1)

    src2 = src_p.reshape(R_IDX, IDX_W)

    y1, dis = _tc1(dega, degb, x_p, W1.astype(f32))
    acc1 = _edge_scatter(y1, src2, dst2)
    t = _tc2(acc1[0], acc1[1], y1, dis,
             b1.reshape(1, D_HID).astype(f32), W2.astype(f32))
    acc2 = _edge_scatter(t, src2, dst2)
    o = _tc3(acc2[0], acc2[1], t, dis, b2.reshape(1, D_HID).astype(f32))
    return o[:N_NODES]

# --- scband reference (transcript-rebuilt; emitter-appended) ---
"""Pipeline reference for scband-gnn-68083821576372 (READ-ONLY COPY).

The authoritative reference and input builder live on the scoring server;
editing this copy changes nothing except your own understanding.
"""

import jax, jax.numpy as jnp
import numpy as np

N_NODES = 10000
N_EDGES = 320000
D_FEAT = 128
D_HID = 16
D_OUT = 16


def gcn_conv(x, edge_index, W, b, num_nodes):
    src = edge_index[0]
    dst = edge_index[1]
    loop = jnp.arange(num_nodes, dtype=edge_index.dtype)
    src = jnp.concatenate([src, loop])
    dst = jnp.concatenate([dst, loop])
    deg = jnp.zeros((num_nodes,), dtype=x.dtype).at[dst].add(1.0)
    deg_inv_sqrt = jnp.where(deg > 0, jax.lax.rsqrt(jnp.maximum(deg, 1e-12)), 0.0)
    norm = deg_inv_sqrt[src] * deg_inv_sqrt[dst]
    xw = x @ W
    msg = jnp.take(xw, src, axis=0) * norm[:, None]
    out = jnp.zeros((num_nodes, W.shape[1]), dtype=x.dtype).at[dst].add(msg)
    return out + b


def setup_inputs(seed: int = 0) -> dict:
    key = jax.random.key(seed)
    k1, k2, k3, k4, k5, k6 = jax.random.split(key, 6)
    x = jax.random.normal(k1, (N_NODES, D_FEAT), dtype=jnp.float32)
    edge_index = jax.random.randint(k2, (2, N_EDGES), 0, N_NODES, dtype=jnp.int64)
    W1 = jax.random.normal(k3, (D_FEAT, D_HID), dtype=jnp.float32) * (1.0 / np.sqrt(D_FEAT))
    b1 = jnp.zeros((D_HID,), dtype=jnp.float32)
    W2 = jax.random.normal(k4, (D_HID, D_OUT), dtype=jnp.float32) * (1.0 / np.sqrt(D_HID))
    b2 = jnp.zeros((D_OUT,), dtype=jnp.float32)
    return {"x": x, "edge_index": edge_index, "W1": W1, "b1": b1, "W2": W2, "b2": b2}


def reference(x, edge_index, W1, b1, W2, b2):
    h = gcn_conv(x, edge_index, W1, b1, N_NODES)
    h = jax.nn.relu(h)
    h = gcn_conv(h, edge_index, W2, b2, N_NODES)
    return jax.nn.log_softmax(h, axis=1)

if __name__ == "__main__":
    import jax
    _d = setup_inputs()
    print(jax.jit(kernel)(*tuple(_d.values())))

</pallas_src>

<mosaic_0001>
#map = affine_map<(d0, d1) -> (0, 0)>
#map1 = affine_map<(d0, d1) -> (0, 0, 0)>
module attributes {stable_mosaic.version = 14 : i64} {
  func.func @_edge_scatter(%arg0: i32, %arg1: i32, %arg2: memref<10240x16xf32, #tpu.memory_space<hbm>>, %arg3: memref<2560x128xi32, #tpu.memory_space<hbm>>, %arg4: memref<2560x128xi32, #tpu.memory_space<hbm>>, %arg5: memref<2x10240x16xf32, #tpu.memory_space<hbm>>, %arg6: memref<80x128xi32, #tpu.memory_space<vmem>>, %arg7: memref<80x128xi32, #tpu.memory_space<vmem>>, %arg8: memref<4x128x16xf32, #tpu.memory_space<vmem>>, %arg9: memref<10240x16xf32, #tpu.memory_space<vmem_shared>>, %arg10: memref<10240x16xf32, #tpu.memory_space<vmem_shared>>, %arg11: memref<!tpu.dma_semaphore, #tpu.memory_space<semaphore_mem>>, %arg12: memref<!tpu.dma_semaphore, #tpu.memory_space<semaphore_mem>>) attributes {dimension_semantics = [#tpu.dimension_semantics<core_parallel>, #tpu.dimension_semantics<subcore_parallel>], iteration_bounds = array<i64: 2, 16>, scalar_prefetch = 0 : i64, scratch_operands = 7 : i64, tpu.core_type = #tpu.core_type<sc_vector_subcore>, window_params = [{transform_indices = #map}, {transform_indices = #map}, {transform_indices = #map}, {transform_indices = #map1}]} {
    %mul3A = arith.constant 16 : i32
    %mul3A_0 = arith.muli %arg0, %mul3A : i32
    %add3A = arith.addi %mul3A_0, %arg1 : i32
    %scan3A = arith.constant 0 : i32
    %scan3A_1 = arith.constant 0 : i32
    %scan3A_2 = arith.constant 128 : i32
    %scan3A_3 = arith.addi %scan3A_1, %scan3A_2 : i32
    %scan3A_4 = arith.constant 1 : i32
    scf.for %scan3A_78 = %scan3A_1 to %scan3A_3 step %scan3A_4  : i32 {
      %broadcast_in_dim3A = arith.constant 0.000000e+00 : f32
      %broadcast_in_dim3A_79 = vector.broadcast %broadcast_in_dim3A : f32 to vector<16xf32>
      %swap3A = arith.constant 3 : i32
      %swap3A_80 = arith.index_cast %swap3A : i32 to index
      %swap3A_81 = arith.index_cast %scan3A_78 : i32 to index
      %swap3A_82 = arith.constant 0 : index
      %swap3A_83 = tpu.vector_load %arg8[%swap3A_80, %swap3A_81, %swap3A_82] {strides = array<i32>} : memref<4x128x16xf32, #tpu.memory_space<vmem>>, vector<1x1x16xf32>,
      %swap3A_84 = vector.shape_cast %swap3A_83 : vector<1x1x16xf32> to vector<16xf32>
      %swap3A_85 = vector.shape_cast %broadcast_in_dim3A_79 : vector<16xf32> to vector<1x1x16xf32>
      tpu.vector_store %arg8[%swap3A_80, %swap3A_81, %swap3A_82], %swap3A_85 {strides = array<i32>} : memref<4x128x16xf32, #tpu.memory_space<vmem>>, vector<1x1x16xf32>,
    }
    %scan3A_5 = arith.constant 128 : i32
    %scan3A_6 = arith.constant 0 : i32
    %scan3A_7 = arith.constant 0 : i32
    %scan3A_8 = arith.constant 5 : i32
    %scan3A_9 = arith.addi %scan3A_7, %scan3A_8 : i32
    %scan3A_10 = arith.constant 1 : i32
    scf.for %scan3A_78 = %scan3A_7 to %scan3A_9 step %scan3A_10  : i32 {
      %mul3A_79 = arith.constant 640 : i32
      %mul3A_80 = arith.muli %arg1, %mul3A_79 : i32
      %mul3A_81 = arith.constant 128 : i32
      %mul3A_82 = arith.muli %scan3A_78, %mul3A_81 : i32
      %add3A_83 = arith.addi %mul3A_80, %mul3A_82 : i32
      %run_scoped3A = arith.constant 3 : i32
      "tpu.region"() ({
        %run_scoped3A_84 = tpu.sem_alloc : memref<!tpu.dma_semaphore, #tpu.memory_space<semaphore_mem>>
        %dma_start3A_85 = arith.constant 0 : i32
        %dma_start3A_86 = arith.constant 0 : i32
        %dma_start3A_87 = tpu.memref_slice %arg8[%run_scoped3A, %dma_start3A_85, %dma_start3A_86] : memref<4x128x16xf32, #tpu.memory_space<vmem>> -> memref<1x128x16xf32, #tpu.memory_space<vmem>>
        %dma_start3A_88 = tpu.memref_squeeze %dma_start3A_87 : memref<1x128x16xf32, #tpu.memory_space<vmem>> -> memref<128x16xf32, #tpu.memory_space<vmem>>
        %dma_start3A_89 = arith.constant 0 : i32
        %dma_start3A_90 = tpu.memref_slice %arg10[%add3A_83, %dma_start3A_89] : memref<10240x16xf32, #tpu.memory_space<vmem_shared>> -> memref<128x16xf32, #tpu.memory_space<vmem_shared>>
        %dma_start3A_91 = arith.constant 0 : i32
        %dma_start3A_92 = tpu.memref_slice %arg10[%add3A_83, %dma_start3A_91] : memref<10240x16xf32, #tpu.memory_space<vmem_shared>> -> memref<128x16xf32, #tpu.memory_space<vmem_shared>>
        %dma_start3A_93 = arith.constant 0 : i32
        %dma_start3A_94 = arith.constant 0 : i32
        %dma_start3A_95 = tpu.memref_slice %arg8[%run_scoped3A, %dma_start3A_93, %dma_start3A_94] : memref<4x128x16xf32, #tpu.memory_space<vmem>> -> memref<1x128x16xf32, #tpu.memory_space<vmem>>
        %dma_start3A_96 = tpu.memref_squeeze %dma_start3A_95 : memref<1x128x16xf32, #tpu.memory_space<vmem>> -> memref<128x16xf32, #tpu.memory_space<vmem>>
        tpu.enqueue_dma source(%dma_start3A_96 : memref<128x16xf32, #tpu.memory_space<vmem>>) target(%dma_start3A_92 : memref<128x16xf32, #tpu.memory_space<vmem_shared>>) target_semaphore(%run_scoped3A_84 : memref<!tpu.dma_semaphore, #tpu.memory_space<semaphore_mem>>)
        %dma_wait3A = arith.constant 0 : i32
        %dma_wait3A_97 = arith.constant 0 : i32
        %dma_wait3A_98 = tpu.memref_slice %arg8[%run_scoped3A, %dma_wait3A, %dma_wait3A_97] : memref<4x128x16xf32, #tpu.memory_space<vmem>> -> memref<1x128x16xf32, #tpu.memory_space<vmem>>
        %dma_wait3A_99 = tpu.memref_squeeze %dma_wait3A_98 : memref<1x128x16xf32, #tpu.memory_space<vmem>> -> memref<128x16xf32, #tpu.memory_space<vmem>>
        %dma_wait3A_100 = arith.constant 0 : i32
        %dma_wait3A_101 = tpu.memref_slice %arg10[%add3A_83, %dma_wait3A_100] : memref<10240x16xf32, #tpu.memory_space<vmem_shared>> -> memref<128x16xf32, #tpu.memory_space<vmem_shared>>
        %dma_wait3A_102 = arith.constant 0 : i32
        %dma_wait3A_103 = tpu.memref_slice %arg10[%add3A_83, %dma_wait3A_102] : memref<10240x16xf32, #tpu.memory_space<vmem_shared>> -> memref<128x16xf32, #tpu.memory_space<vmem_shared>>
        %dma_wait3A_104 = arith.constant 0 : i32
        %dma_wait3A_105 = arith.constant 0 : i32
        %dma_wait3A_106 = tpu.memref_slice %arg8[%run_scoped3A, %dma_wait3A_104, %dma_wait3A_105] : memref<4x128x16xf32, #tpu.memory_space<vmem>> -> memref<1x128x16xf32, #tpu.memory_space<vmem>>
        %dma_wait3A_107 = tpu.memref_squeeze %dma_wait3A_106 : memref<1x128x16xf32, #tpu.memory_space<vmem>> -> memref<128x16xf32, #tpu.memory_space<vmem>>
        tpu.wait_dma2 semaphore(%run_scoped3A_84 : memref<!tpu.dma_semaphore, #tpu.memory_space<semaphore_mem>>) src(%dma_wait3A_107 : memref<128x16xf32, #tpu.memory_space<vmem>>) dst(%dma_wait3A_103 : memref<128x16xf32, #tpu.memory_space<vmem_shared>>)
        tpu.yield
      }) : () -> ()
    }
    %scan3A_11 = arith.constant 5 : i32
    %mul3A_12 = arith.constant 80 : i32
    %mul3A_13 = arith.muli %add3A, %mul3A_12 : i32
    "tpu.region"() ({
      %run_scoped3A = tpu.sem_alloc : memref<!tpu.dma_semaphore, #tpu.memory_space<semaphore_mem>>
      %dma_start3A_78 = arith.constant 0 : i32
      %dma_start3A_79 = tpu.memref_slice %arg3[%mul3A_13, %dma_start3A_78] : memref<2560x128xi32, #tpu.memory_space<hbm>> -> memref<80x128xi32, #tpu.memory_space<hbm>>
      %dma_start3A_80 = arith.constant 0 : i32
      %dma_start3A_81 = tpu.memref_slice %arg3[%mul3A_13, %dma_start3A_80] : memref<2560x128xi32, #tpu.memory_space<hbm>> -> memref<80x128xi32, #tpu.memory_space<hbm>>
      tpu.enqueue_dma source(%dma_start3A_81 : memref<80x128xi32, #tpu.memory_space<hbm>>) target(%arg6 : memref<80x128xi32, #tpu.memory_space<vmem>>) target_semaphore(%run_scoped3A : memref<!tpu.dma_semaphore, #tpu.memory_space<semaphore_mem>>)
      %dma_wait3A = arith.constant 0 : i32
      %dma_wait3A_82 = tpu.memref_slice %arg3[%mul3A_13, %dma_wait3A] : memref<2560x128xi32, #tpu.memory_space<hbm>> -> memref<80x128xi32, #tpu.memory_space<hbm>>
      %dma_wait3A_83 = arith.constant 0 : i32
      %dma_wait3A_84 = tpu.memref_slice %arg3[%mul3A_13, %dma_wait3A_83] : memref<2560x128xi32, #tpu.memory_space<hbm>> -> memref<80x128xi32, #tpu.memory_space<hbm>>
      tpu.wait_dma2 semaphore(%run_scoped3A : memref<!tpu.dma_semaphore, #tpu.memory_space<semaphore_mem>>) src(%dma_wait3A_84 : memref<80x128xi32, #tpu.memory_space<hbm>>) dst(%arg6 : memref<80x128xi32, #tpu.memory_space<vmem>>)
      tpu.yield
    }) : () -> ()
    %mul3A_14 = arith.constant 80 : i32
    %mul3A_15 = arith.muli %add3A, %mul3A_14 : i32
    "tpu.region"() ({
      %run_scoped3A = tpu.sem_alloc : memref<!tpu.dma_semaphore, #tpu.memory_space<semaphore_mem>>
      %dma_start3A_78 = arith.constant 0 : i32
      %dma_start3A_79 = tpu.memref_slice %arg4[%mul3A_15, %dma_start3A_78] : memref<2560x128xi32, #tpu.memory_space<hbm>> -> memref<80x128xi32, #tpu.memory_space<hbm>>
      %dma_start3A_80 = arith.constant 0 : i32
      %dma_start3A_81 = tpu.memref_slice %arg4[%mul3A_15, %dma_start3A_80] : memref<2560x128xi32, #tpu.memory_space<hbm>> -> memref<80x128xi32, #tpu.memory_space<hbm>>
      tpu.enqueue_dma source(%dma_start3A_81 : memref<80x128xi32, #tpu.memory_space<hbm>>) target(%arg7 : memref<80x128xi32, #tpu.memory_space<vmem>>) target_semaphore(%run_scoped3A : memref<!tpu.dma_semaphore, #tpu.memory_space<semaphore_mem>>)
      %dma_wait3A = arith.constant 0 : i32
      %dma_wait3A_82 = tpu.memref_slice %arg4[%mul3A_15, %dma_wait3A] : memref<2560x128xi32, #tpu.memory_space<hbm>> -> memref<80x128xi32, #tpu.memory_space<hbm>>
      %dma_wait3A_83 = arith.constant 0 : i32
      %dma_wait3A_84 = tpu.memref_slice %arg4[%mul3A_15, %dma_wait3A_83] : memref<2560x128xi32, #tpu.memory_space<hbm>> -> memref<80x128xi32, #tpu.memory_space<hbm>>
      tpu.wait_dma2 semaphore(%run_scoped3A : memref<!tpu.dma_semaphore, #tpu.memory_space<semaphore_mem>>) src(%dma_wait3A_84 : memref<80x128xi32, #tpu.memory_space<hbm>>) dst(%arg7 : memref<80x128xi32, #tpu.memory_space<vmem>>)
      tpu.yield
    }) : () -> ()
    %mul3A_16 = arith.constant 640 : i32
    %mul3A_17 = arith.muli %arg1, %mul3A_16 : i32
    %mul3A_18 = arith.constant 640 : i32
    %mul3A_19 = arith.muli %arg1, %mul3A_18 : i32
    "tpu.region"() ({
      %run_scoped3A = tpu.sem_alloc : memref<!tpu.dma_semaphore, #tpu.memory_space<semaphore_mem>>
      %dma_start3A_78 = arith.constant 0 : i32
      %dma_start3A_79 = tpu.memref_slice %arg9[%mul3A_19, %dma_start3A_78] : memref<10240x16xf32, #tpu.memory_space<vmem_shared>> -> memref<640x16xf32, #tpu.memory_space<vmem_shared>>
      %dma_start3A_80 = arith.constant 0 : i32
      %dma_start3A_81 = tpu.memref_slice %arg2[%mul3A_17, %dma_start3A_80] : memref<10240x16xf32, #tpu.memory_space<hbm>> -> memref<640x16xf32, #tpu.memory_space<hbm>>
      tpu.enqueue_dma source(%dma_start3A_81 : memref<640x16xf32, #tpu.memory_space<hbm>>) target(%dma_start3A_79 : memref<640x16xf32, #tpu.memory_space<vmem_shared>>) target_semaphore(%run_scoped3A : memref<!tpu.dma_semaphore, #tpu.memory_space<semaphore_mem>>)
      %dma_wait3A = arith.constant 0 : i32
      %dma_wait3A_82 = tpu.memref_slice %arg9[%mul3A_19, %dma_wait3A] : memref<10240x16xf32, #tpu.memory_space<vmem_shared>> -> memref<640x16xf32, #tpu.memory_space<vmem_shared>>
      %dma_wait3A_83 = arith.constant 0 : i32
      %dma_wait3A_84 = tpu.memref_slice %arg2[%mul3A_17, %dma_wait3A_83] : memref<10240x16xf32, #tpu.memory_space<hbm>> -> memref<640x16xf32, #tpu.memory_space<hbm>>
      tpu.wait_dma2 semaphore(%run_scoped3A : memref<!tpu.dma_semaphore, #tpu.memory_space<semaphore_mem>>) src(%dma_wait3A_84 : memref<640x16xf32, #tpu.memory_space<hbm>>) dst(%dma_wait3A_82 : memref<640x16xf32, #tpu.memory_space<vmem_shared>>)
      tpu.yield
    }) : () -> ()
    %barrier3A = arith.constant 0 : index
    tpu.barrier barrier_id(%barrier3A)
    %dma_start3A = arith.constant 0 : i32
    %dma_start3A_20 = arith.constant 0 : i32
    %dma_start3A_21 = arith.constant 0 : i32
    %dma_start3A_22 = arith.constant 0 : i32
    %dma_start3A_23 = tpu.memref_slice %arg8[%dma_start3A_20, %dma_start3A_21, %dma_start3A_22] : memref<4x128x16xf32, #tpu.memory_space<vmem>> -> memref<1x128x16xf32, #tpu.memory_space<vmem>>
    %dma_start3A_24 = tpu.memref_squeeze %dma_start3A_23 : memref<1x128x16xf32, #tpu.memory_space<vmem>> -> memref<128x16xf32, #tpu.memory_space<vmem>>
    %dma_start3A_25 = arith.constant 0 : i32
    %dma_start3A_26 = tpu.memref_slice %arg6[%dma_start3A, %dma_start3A_25] : memref<80x128xi32, #tpu.memory_space<vmem>> -> memref<1x128xi32, #tpu.memory_space<vmem>>
    %dma_start3A_27 = tpu.memref_squeeze %dma_start3A_26 : memref<1x128xi32, #tpu.memory_space<vmem>> -> memref<128xi32, #tpu.memory_space<vmem>>
    %dma_start3A_28 = arith.constant 0 : i32
    %dma_start3A_29 = arith.constant 0 : i32
    %dma_start3A_30 = tpu.memref_slice %arg9[%dma_start3A_28, %dma_start3A_29] : memref<10240x16xf32, #tpu.memory_space<vmem_shared>> -> memref<10240x16xf32, #tpu.memory_space<vmem_shared>>
    tpu.enqueue_indirect_dma source(%dma_start3A_30 : memref<10240x16xf32, #tpu.memory_space<vmem_shared>>) target(%dma_start3A_24 : memref<128x16xf32, #tpu.memory_space<vmem>>) offsets(%dma_start3A_27 : memref<128xi32, #tpu.memory_space<vmem>>) semaphore(%arg11 : memref<!tpu.dma_semaphore, #tpu.memory_space<semaphore_mem>>)
    %dma_start3A_31 = arith.constant 1 : i32
    %dma_start3A_32 = arith.constant 1 : i32
    %dma_start3A_33 = arith.constant 0 : i32
    %dma_start3A_34 = arith.constant 0 : i32
    %dma_start3A_35 = tpu.memref_slice %arg8[%dma_start3A_32, %dma_start3A_33, %dma_start3A_34] : memref<4x128x16xf32, #tpu.memory_space<vmem>> -> memref<1x128x16xf32, #tpu.memory_space<vmem>>
    %dma_start3A_36 = tpu.memref_squeeze %dma_start3A_35 : memref<1x128x16xf32, #tpu.memory_space<vmem>> -> memref<128x16xf32, #tpu.memory_space<vmem>>
    %dma_start3A_37 = arith.constant 0 : i32
    %dma_start3A_38 = tpu.memref_slice %arg6[%dma_start3A_31, %dma_start3A_37] : memref<80x128xi32, #tpu.memory_space<vmem>> -> memref<1x128xi32, #tpu.memory_space<vmem>>
    %dma_start3A_39 = tpu.memref_squeeze %dma_start3A_38 : memref<1x128xi32, #tpu.memory_space<vmem>> -> memref<128xi32, #tpu.memory_space<vmem>>
    %dma_start3A_40 = arith.constant 0 : i32
    %dma_start3A_41 = arith.constant 0 : i32
    %dma_start3A_42 = tpu.memref_slice %arg9[%dma_start3A_40, %dma_start3A_41] : memref<10240x16xf32, #tpu.memory_space<vmem_shared>> -> memref<10240x16xf32, #tpu.memory_space<vmem_shared>>
    tpu.enqueue_indirect_dma source(%dma_start3A_42 : memref<10240x16xf32, #tpu.memory_space<vmem_shared>>) target(%dma_start3A_36 : memref<128x16xf32, #tpu.memory_space<vmem>>) offsets(%dma_start3A_39 : memref<128xi32, #tpu.memory_space<vmem>>) semaphore(%arg11 : memref<!tpu.dma_semaphore, #tpu.memory_space<semaphore_mem>>)
    %dma_start3A_43 = arith.constant 2 : i32
    %dma_start3A_44 = arith.constant 2 : i32
    %dma_start3A_45 = arith.constant 0 : i32
    %dma_start3A_46 = arith.constant 0 : i32
    %dma_start3A_47 = tpu.memref_slice %arg8[%dma_start3A_44, %dma_start3A_45, %dma_start3A_46] : memref<4x128x16xf32, #tpu.memory_space<vmem>> -> memref<1x128x16xf32, #tpu.memory_space<vmem>>
    %dma_start3A_48 = tpu.memref_squeeze %dma_start3A_47 : memref<1x128x16xf32, #tpu.memory_space<vmem>> -> memref<128x16xf32, #tpu.memory_space<vmem>>
    %dma_start3A_49 = arith.constant 0 : i32
    %dma_start3A_50 = tpu.memref_slice %arg6[%dma_start3A_43, %dma_start3A_49] : memref<80x128xi32, #tpu.memory_space<vmem>> -> memref<1x128xi32, #tpu.memory_space<vmem>>
    %dma_start3A_51 = tpu.memref_squeeze %dma_start3A_50 : memref<1x128xi32, #tpu.memory_space<vmem>> -> memref<128xi32, #tpu.memory_space<vmem>>
    %dma_start3A_52 = arith.constant 0 : i32
    %dma_start3A_53 = arith.constant 0 : i32
    %dma_start3A_54 = tpu.memref_slice %arg9[%dma_start3A_52, %dma_start3A_53] : memref<10240x16xf32, #tpu.memory_space<vmem_shared>> -> memref<10240x16xf32, #tpu.memory_space<vmem_shared>>
    tpu.enqueue_indirect_dma source(%dma_start3A_54 : memref<10240x16xf32, #tpu.memory_space<vmem_shared>>) target(%dma_start3A_48 : memref<128x16xf32, #tpu.memory_space<vmem>>) offsets(%dma_start3A_51 : memref<128xi32, #tpu.memory_space<vmem>>) semaphore(%arg11 : memref<!tpu.dma_semaphore, #tpu.memory_space<semaphore_mem>>)
    %dma_start3A_55 = arith.constant 3 : i32
    %dma_start3A_56 = arith.constant 3 : i32
    %dma_start3A_57 = arith.constant 0 : i32
    %dma_start3A_58 = arith.constant 0 : i32
    %dma_start3A_59 = tpu.memref_slice %arg8[%dma_start3A_56, %dma_start3A_57, %dma_start3A_58] : memref<4x128x16xf32, #tpu.memory_space<vmem>> -> memref<1x128x16xf32, #tpu.memory_space<vmem>>
    %dma_start3A_60 = tpu.memref_squeeze %dma_start3A_59 : memref<1x128x16xf32, #tpu.memory_space<vmem>> -> memref<128x16xf32, #tpu.memory_space<vmem>>
    %dma_start3A_61 = arith.constant 0 : i32
    %dma_start3A_62 = tpu.memref_slice %arg6[%dma_start3A_55, %dma_start3A_61] : memref<80x128xi32, #tpu.memory_space<vmem>> -> memref<1x128xi32, #tpu.memory_space<vmem>>
    %dma_start3A_63 = tpu.memref_squeeze %dma_start3A_62 : memref<1x128xi32, #tpu.memory_space<vmem>> -> memref<128xi32, #tpu.memory_space<vmem>>
    %dma_start3A_64 = arith.constant 0 : i32
    %dma_start3A_65 = arith.constant 0 : i32
    %dma_start3A_66 = tpu.memref_slice %arg9[%dma_start3A_64, %dma_start3A_65] : memref<10240x16xf32, #tpu.memory_space<vmem_shared>> -> memref<10240x16xf32, #tpu.memory_space<vmem_shared>>
    tpu.enqueue_indirect_dma source(%dma_start3A_66 : memref<10240x16xf32, #tpu.memory_space<vmem_shared>>) target(%dma_start3A_60 : memref<128x16xf32, #tpu.memory_space<vmem>>) offsets(%dma_start3A_63 : memref<128xi32, #tpu.memory_space<vmem>>) semaphore(%arg11 : memref<!tpu.dma_semaphore, #tpu.memory_space<semaphore_mem>>)
    %scan3A_67 = arith.constant 0 : i32
    %scan3A_68 = arith.constant 0 : i32
    %scan3A_69 = arith.constant 20 : i32
    %scan3A_70 = arith.addi %scan3A_68, %scan3A_69 : i32
    %scan3A_71 = arith.constant 1 : i32
    scf.for %scan3A_78 = %scan3A_68 to %scan3A_70 step %scan3A_71  : i32 {
      %mul3A_79 = arith.constant 4 : i32
      %mul3A_80 = arith.muli %scan3A_78, %mul3A_79 : i32
      %add3A_81 = arith.constant 0 : i32
      %add3A_82 = arith.addi %mul3A_80, %add3A_81 : i32
      %dma_wait3A = arith.constant 0 : i32
      %dma_wait3A_83 = arith.constant 0 : i32
      %dma_wait3A_84 = arith.constant 0 : i32
      %dma_wait3A_85 = tpu.memref_slice %arg8[%dma_wait3A, %dma_wait3A_83, %dma_wait3A_84] : memref<4x128x16xf32, #tpu.memory_space<vmem>> -> memref<1x128x16xf32, #tpu.memory_space<vmem>>
      %dma_wait3A_86 = tpu.memref_squeeze %dma_wait3A_85 : memref<1x128x16xf32, #tpu.memory_space<vmem>> -> memref<128x16xf32, #tpu.memory_space<vmem>>
      %dma_wait3A_87 = arith.constant 0 : i32
      %dma_wait3A_88 = tpu.memref_slice %arg6[%add3A_82, %dma_wait3A_87] : memref<80x128xi32, #tpu.memory_space<vmem>> -> memref<1x128xi32, #tpu.memory_space<vmem>>
      %dma_wait3A_89 = tpu.memref_squeeze %dma_wait3A_88 : memref<1x128xi32, #tpu.memory_space<vmem>> -> memref<128xi32, #tpu.memory_space<vmem>>
      %dma_wait3A_90 = arith.constant 0 : i32
      %dma_wait3A_91 = arith.constant 0 : i32
      %dma_wait3A_92 = tpu.memref_slice %arg9[%dma_wait3A_90, %dma_wait3A_91] : memref<10240x16xf32, #tpu.memory_space<vmem_shared>> -> memref<10240x16xf32, #tpu.memory_space<vmem_shared>>
      tpu.wait_indirect_dma semaphore(%arg11 : memref<!tpu.dma_semaphore, #tpu.memory_space<semaphore_mem>>) src(%dma_wait3A_92 : memref<10240x16xf32, #tpu.memory_space<vmem_shared>>) dst(%dma_wait3A_86 : memref<128x16xf32, #tpu.memory_space<vmem>>)
      %add3A_93 = arith.constant 0 : i32
      %add3A_94 = arith.addi %mul3A_80, %add3A_93 : i32
      %dma_start3A_95 = arith.constant 0 : i32
      %dma_start3A_96 = arith.constant 0 : i32
      %dma_start3A_97 = arith.constant 0 : i32
      %dma_start3A_98 = tpu.memref_slice %arg8[%dma_start3A_95, %dma_start3A_96, %dma_start3A_97] : memref<4x128x16xf32, #tpu.memory_space<vmem>> -> memref<1x128x16xf32, #tpu.memory_space<vmem>>
      %dma_start3A_99 = tpu.memref_squeeze %dma_start3A_98 : memref<1x128x16xf32, #tpu.memory_space<vmem>> -> memref<128x16xf32, #tpu.memory_space<vmem>>
      %dma_start3A_100 = arith.constant 0 : i32
      %dma_start3A_101 = tpu.memref_slice %arg7[%add3A_94, %dma_start3A_100] : memref<80x128xi32, #tpu.memory_space<vmem>> -> memref<1x128xi32, #tpu.memory_space<vmem>>
      %dma_start3A_102 = tpu.memref_squeeze %dma_start3A_101 : memref<1x128xi32, #tpu.memory_space<vmem>> -> memref<128xi32, #tpu.memory_space<vmem>>
      %dma_start3A_103 = arith.constant 0 : i32
      %dma_start3A_104 = arith.constant 0 : i32
      %dma_start3A_105 = tpu.memref_slice %arg10[%dma_start3A_103, %dma_start3A_104] : memref<10240x16xf32, #tpu.memory_space<vmem_shared>> -> memref<10240x16xf32, #tpu.memory_space<vmem_shared>>
      tpu.enqueue_indirect_dma source(%dma_start3A_99 : memref<128x16xf32, #tpu.memory_space<vmem>>) target(%dma_start3A_105 : memref<10240x16xf32, #tpu.memory_space<vmem_shared>>) offsets(%dma_start3A_102 : memref<128xi32, #tpu.memory_space<vmem>>) semaphore(%arg12 : memref<!tpu.dma_semaphore, #tpu.memory_space<semaphore_mem>>) {add = true}
      %add3A_106 = arith.constant 1 : i32
      %add3A_107 = arith.addi %mul3A_80, %add3A_106 : i32
      %dma_wait3A_108 = arith.constant 1 : i32
      %dma_wait3A_109 = arith.constant 0 : i32
      %dma_wait3A_110 = arith.constant 0 : i32
      %dma_wait3A_111 = tpu.memref_slice %arg8[%dma_wait3A_108, %dma_wait3A_109, %dma_wait3A_110] : memref<4x128x16xf32, #tpu.memory_space<vmem>> -> memref<1x128x16xf32, #tpu.memory_space<vmem>>
      %dma_wait3A_112 = tpu.memref_squeeze %dma_wait3A_111 : memref<1x128x16xf32, #tpu.memory_space<vmem>> -> memref<128x16xf32, #tpu.memory_space<vmem>>
      %dma_wait3A_113 = arith.constant 0 : i32
      %dma_wait3A_114 = tpu.memref_slice %arg6[%add3A_107, %dma_wait3A_113] : memref<80x128xi32, #tpu.memory_space<vmem>> -> memref<1x128xi32, #tpu.memory_space<vmem>>
      %dma_wait3A_115 = tpu.memref_squeeze %dma_wait3A_114 : memref<1x128xi32, #tpu.memory_space<vmem>> -> memref<128xi32, #tpu.memory_space<vmem>>
      %dma_wait3A_116 = arith.constant 0 : i32
      %dma_wait3A_117 = arith.constant 0 : i32
      %dma_wait3A_118 = tpu.memref_slice %arg9[%dma_wait3A_116, %dma_wait3A_117] : memref<10240x16xf32, #tpu.memory_space<vmem_shared>> -> memref<10240x16xf32, #tpu.memory_space<vmem_shared>>
      tpu.wait_indirect_dma semaphore(%arg11 : memref<!tpu.dma_semaphore, #tpu.memory_space<semaphore_mem>>) src(%dma_wait3A_118 : memref<10240x16xf32, #tpu.memory_space<vmem_shared>>) dst(%dma_wait3A_112 : memref<128x16xf32, #tpu.memory_space<vmem>>)
      %add3A_119 = arith.constant 1 : i32
      %add3A_120 = arith.addi %mul3A_80, %add3A_119 : i32
      %dma_start3A_121 = arith.constant 1 : i32
      %dma_start3A_122 = arith.constant 0 : i32
      %dma_start3A_123 = arith.constant 0 : i32
      %dma_start3A_124 = tpu.memref_slice %arg8[%dma_start3A_121, %dma_start3A_122, %dma_start3A_123] : memref<4x128x16xf32, #tpu.memory_space<vmem>> -> memref<1x128x16xf32, #tpu.memory_space<vmem>>
      %dma_start3A_125 = tpu.memref_squeeze %dma_start3A_124 : memref<1x128x16xf32, #tpu.memory_space<vmem>> -> memref<128x16xf32, #tpu.memory_space<vmem>>
      %dma_start3A_126 = arith.constant 0 : i32
      %dma_start3A_127 = tpu.memref_slice %arg7[%add3A_120, %dma_start3A_126] : memref<80x128xi32, #tpu.memory_space<vmem>> -> memref<1x128xi32, #tpu.memory_space<vmem>>
      %dma_start3A_128 = tpu.memref_squeeze %dma_start3A_127 : memref<1x128xi32, #tpu.memory_space<vmem>> -> memref<128xi32, #tpu.memory_space<vmem>>
      %dma_start3A_129 = arith.constant 0 : i32
      %dma_start3A_130 = arith.constant 0 : i32
      %dma_start3A_131 = tpu.memref_slice %arg10[%dma_start3A_129, %dma_start3A_130] : memref<10240x16xf32, #tpu.memory_space<vmem_shared>> -> memref<10240x16xf32, #tpu.memory_space<vmem_shared>>
      tpu.enqueue_indirect_dma source(%dma_start3A_125 : memref<128x16xf32, #tpu.memory_space<vmem>>) target(%dma_start3A_131 : memref<10240x16xf32, #tpu.memory_space<vmem_shared>>) offsets(%dma_start3A_128 : memref<128xi32, #tpu.memory_space<vmem>>) semaphore(%arg12 : memref<!tpu.dma_semaphore, #tpu.memory_space<semaphore_mem>>) {add = true}
      %add3A_132 = arith.constant 2 : i32
      %add3A_133 = arith.addi %mul3A_80, %add3A_132 : i32
      %dma_wait3A_134 = arith.constant 2 : i32
      %dma_wait3A_135 = arith.constant 0 : i32
      %dma_wait3A_136 = arith.constant 0 : i32
      %dma_wait3A_137 = tpu.memref_slice %arg8[%dma_wait3A_134, %dma_wait3A_135, %dma_wait3A_136] : memref<4x128x16xf32, #tpu.memory_space<vmem>> -> memref<1x128x16xf32, #tpu.memory_space<vmem>>
      %dma_wait3A_138 = tpu.memref_squeeze %dma_wait3A_137 : memref<1x128x16xf32, #tpu.memory_space<vmem>> -> memref<128x16xf32, #tpu.memory_space<vmem>>
      %dma_wait3A_139 = arith.constant 0 : i32
      %dma_wait3A_140 = tpu.memref_slice %arg6[%add3A_133, %dma_wait3A_139] : memref<80x128xi32, #tpu.memory_space<vmem>> -> memref<1x128xi32, #tpu.memory_space<vmem>>
      %dma_wait3A_141 = tpu.memref_squeeze %dma_wait3A_140 : memref<1x128xi32, #tpu.memory_space<vmem>> -> memref<128xi32, #tpu.memory_space<vmem>>
      %dma_wait3A_142 = arith.constant 0 : i32
      %dma_wait3A_143 = arith.constant 0 : i32
      %dma_wait3A_144 = tpu.memref_slice %arg9[%dma_wait3A_142, %dma_wait3A_143] : memref<10240x16xf32, #tpu.memory_space<vmem_shared>> -> memref<10240x16xf32, #tpu.memory_space<vmem_shared>>
      tpu.wait_indirect_dma semaphore(%arg11 : memref<!tpu.dma_semaphore, #tpu.memory_space<semaphore_mem>>) src(%dma_wait3A_144 : memref<10240x16xf32, #tpu.memory_space<vmem_shared>>) dst(%dma_wait3A_138 : memref<128x16xf32, #tpu.memory_space<vmem>>)
      %add3A_145 = arith.constant 2 : i32
      %add3A_146 = arith.addi %mul3A_80, %add3A_145 : i32
      %dma_start3A_147 = arith.constant 2 : i32
      %dma_start3A_148 = arith.constant 0 : i32
      %dma_start3A_149 = arith.constant 0 : i32
      %dma_start3A_150 = tpu.memref_slice %arg8[%dma_start3A_147, %dma_start3A_148, %dma_start3A_149] : memref<4x128x16xf32, #tpu.memory_space<vmem>> -> memref<1x128x16xf32, #tpu.memory_space<vmem>>
      %dma_start3A_151 = tpu.memref_squeeze %dma_start3A_150 : memref<1x128x16xf32, #tpu.memory_space<vmem>> -> memref<128x16xf32, #tpu.memory_space<vmem>>
      %dma_start3A_152 = arith.constant 0 : i32
      %dma_start3A_153 = tpu.memref_slice %arg7[%add3A_146, %dma_start3A_152] : memref<80x128xi32, #tpu.memory_space<vmem>> -> memref<1x128xi32, #tpu.memory_space<vmem>>
      %dma_start3A_154 = tpu.memref_squeeze %dma_start3A_153 : memref<1x128xi32, #tpu.memory_space<vmem>> -> memref<128xi32, #tpu.memory_space<vmem>>
      %dma_start3A_155 = arith.constant 0 : i32
      %dma_start3A_156 = arith.constant 0 : i32
      %dma_start3A_157 = tpu.memref_slice %arg10[%dma_start3A_155, %dma_start3A_156] : memref<10240x16xf32, #tpu.memory_space<vmem_shared>> -> memref<10240x16xf32, #tpu.memory_space<vmem_shared>>
      tpu.enqueue_indirect_dma source(%dma_start3A_151 : memref<128x16xf32, #tpu.memory_space<vmem>>) target(%dma_start3A_157 : memref<10240x16xf32, #tpu.memory_space<vmem_shared>>) offsets(%dma_start3A_154 : memref<128xi32, #tpu.memory_space<vmem>>) semaphore(%arg12 : memref<!tpu.dma_semaphore, #tpu.memory_space<semaphore_mem>>) {add = true}
      %add3A_158 = arith.constant 3 : i32
      %add3A_159 = arith.addi %mul3A_80, %add3A_158 : i32
      %dma_wait3A_160 = arith.constant 3 : i32
      %dma_wait3A_161 = arith.constant 0 : i32
      %dma_wait3A_162 = arith.constant 0 : i32
      %dma_wait3A_163 = tpu.memref_slice %arg8[%dma_wait3A_160, %dma_wait3A_161, %dma_wait3A_162] : memref<4x128x16xf32, #tpu.memory_space<vmem>> -> memref<1x128x16xf32, #tpu.memory_space<vmem>>
      %dma_wait3A_164 = tpu.memref_squeeze %dma_wait3A_163 : memref<1x128x16xf32, #tpu.memory_space<vmem>> -> memref<128x16xf32, #tpu.memory_space<vmem>>
      %dma_wait3A_165 = arith.constant 0 : i32
      %dma_wait3A_166 = tpu.memref_slice %arg6[%add3A_159, %dma_wait3A_165] : memref<80x128xi32, #tpu.memory_space<vmem>> -> memref<1x128xi32, #tpu.memory_space<vmem>>
      %dma_wait3A_167 = tpu.memref_squeeze %dma_wait3A_166 : memref<1x128xi32, #tpu.memory_space<vmem>> -> memref<128xi32, #tpu.memory_space<vmem>>
      %dma_wait3A_168 = arith.constant 0 : i32
      %dma_wait3A_169 = arith.constant 0 : i32
      %dma_wait3A_170 = tpu.memref_slice %arg9[%dma_wait3A_168, %dma_wait3A_169] : memref<10240x16xf32, #tpu.memory_space<vmem_shared>> -> memref<10240x16xf32, #tpu.memory_space<vmem_shared>>
      tpu.wait_indirect_dma semaphore(%arg11 : memref<!tpu.dma_semaphore, #tpu.memory_space<semaphore_mem>>) src(%dma_wait3A_170 : memref<10240x16xf32, #tpu.memory_space<vmem_shared>>) dst(%dma_wait3A_164 : memref<128x16xf32, #tpu.memory_space<vmem>>)
      %add3A_171 = arith.constant 3 : i32
      %add3A_172 = arith.addi %mul3A_80, %add3A_171 : i32
      %dma_start3A_173 = arith.constant 3 : i32
      %dma_start3A_174 = arith.constant 0 : i32
      %dma_start3A_175 = arith.constant 0 : i32
      %dma_start3A_176 = tpu.memref_slice %arg8[%dma_start3A_173, %dma_start3A_174, %dma_start3A_175] : memref<4x128x16xf32, #tpu.memory_space<vmem>> -> memref<1x128x16xf32, #tpu.memory_space<vmem>>
      %dma_start3A_177 = tpu.memref_squeeze %dma_start3A_176 : memref<1x128x16xf32, #tpu.memory_space<vmem>> -> memref<128x16xf32, #tpu.memory_space<vmem>>
      %dma_start3A_178 = arith.constant 0 : i32
      %dma_start3A_179 = tpu.memref_slice %arg7[%add3A_172, %dma_start3A_178] : memref<80x128xi32, #tpu.memory_space<vmem>> -> memref<1x128xi32, #tpu.memory_space<vmem>>
      %dma_start3A_180 = tpu.memref_squeeze %dma_start3A_179 : memref<1x128xi32, #tpu.memory_space<vmem>> -> memref<128xi32, #tpu.memory_space<vmem>>
      %dma_start3A_181 = arith.constant 0 : i32
      %dma_start3A_182 = arith.constant 0 : i32
      %dma_start3A_183 = tpu.memref_slice %arg10[%dma_start3A_181, %dma_start3A_182] : memref<10240x16xf32, #tpu.memory_space<vmem_shared>> -> memref<10240x16xf32, #tpu.memory_space<vmem_shared>>
      tpu.enqueue_indirect_dma source(%dma_start3A_177 : memref<128x16xf32, #tpu.memory_space<vmem>>) target(%dma_start3A_183 : memref<10240x16xf32, #tpu.memory_space<vmem_shared>>) offsets(%dma_start3A_180 : memref<128xi32, #tpu.memory_space<vmem>>) semaphore(%arg12 : memref<!tpu.dma_semaphore, #tpu.memory_space<semaphore_mem>>) {add = true}
      %add3A_184 = arith.constant 0 : i32
      %add3A_185 = arith.addi %mul3A_80, %add3A_184 : i32
      %dma_wait3A_186 = arith.constant 0 : i32
      %dma_wait3A_187 = arith.constant 0 : i32
      %dma_wait3A_188 = arith.constant 0 : i32
      %dma_wait3A_189 = tpu.memref_slice %arg8[%dma_wait3A_186, %dma_wait3A_187, %dma_wait3A_188] : memref<4x128x16xf32, #tpu.memory_space<vmem>> -> memref<1x128x16xf32, #tpu.memory_space<vmem>>
      %dma_wait3A_190 = tpu.memref_squeeze %dma_wait3A_189 : memref<1x128x16xf32, #tpu.memory_space<vmem>> -> memref<128x16xf32, #tpu.memory_space<vmem>>
      %dma_wait3A_191 = arith.constant 0 : i32
      %dma_wait3A_192 = tpu.memref_slice %arg7[%add3A_185, %dma_wait3A_191] : memref<80x128xi32, #tpu.memory_space<vmem>> -> memref<1x128xi32, #tpu.memory_space<vmem>>
      %dma_wait3A_193 = tpu.memref_squeeze %dma_wait3A_192 : memref<1x128xi32, #tpu.memory_space<vmem>> -> memref<128xi32, #tpu.memory_space<vmem>>
      %dma_wait3A_194 = arith.constant 0 : i32
      %dma_wait3A_195 = arith.constant 0 : i32
      %dma_wait3A_196 = tpu.memref_slice %arg10[%dma_wait3A_194, %dma_wait3A_195] : memref<10240x16xf32, #tpu.memory_space<vmem_shared>> -> memref<10240x16xf32, #tpu.memory_space<vmem_shared>>
      tpu.wait_indirect_dma semaphore(%arg12 : memref<!tpu.dma_semaphore, #tpu.memory_space<semaphore_mem>>) src(%dma_wait3A_190 : memref<128x16xf32, #tpu.memory_space<vmem>>) dst(%dma_wait3A_196 : memref<10240x16xf32, #tpu.memory_space<vmem_shared>>)
      %add3A_197 = arith.constant 0 : i32
      %add3A_198 = arith.addi %mul3A_80, %add3A_197 : i32
      %add3A_199 = arith.constant 4 : i32
      %add3A_200 = arith.addi %add3A_198, %add3A_199 : i32
      %lt3A = arith.constant 80 : i32
      %lt3A_201 = arith.cmpi slt, %add3A_200, %lt3A : i32
      %convert_element_type3A = arith.extui %lt3A_201 : i1 to i32
      %cond3A = arith.constant 0 : i32
      %cond3A_202 = arith.cmpi ne, %convert_element_type3A, %cond3A : i32
      scf.if %cond3A_202 {
        %add3A_269 = arith.constant 0 : i32
        %add3A_270 = arith.addi %mul3A_80, %add3A_269 : i32
        %add3A_271 = arith.constant 4 : i32
        %add3A_272 = arith.addi %add3A_270, %add3A_271 : i32
        %dma_start3A_273 = arith.constant 0 : i32
        %dma_start3A_274 = arith.constant 0 : i32
        %dma_start3A_275 = arith.constant 0 : i32
        %dma_start3A_276 = tpu.memref_slice %arg8[%dma_start3A_273, %dma_start3A_274, %dma_start3A_275] : memref<4x128x16xf32, #tpu.memory_space<vmem>> -> memref<1x128x16xf32, #tpu.memory_space<vmem>>
        %dma_start3A_277 = tpu.memref_squeeze %dma_start3A_276 : memref<1x128x16xf32, #tpu.memory_space<vmem>> -> memref<128x16xf32, #tpu.memory_space<vmem>>
        %dma_start3A_278 = arith.constant 0 : i32
        %dma_start3A_279 = tpu.memref_slice %arg6[%add3A_272, %dma_start3A_278] : memref<80x128xi32, #tpu.memory_space<vmem>> -> memref<1x128xi32, #tpu.memory_space<vmem>>
        %dma_start3A_280 = tpu.memref_squeeze %dma_start3A_279 : memref<1x128xi32, #tpu.memory_space<vmem>> -> memref<128xi32, #tpu.memory_space<vmem>>
        %dma_start3A_281 = arith.constant 0 : i32
        %dma_start3A_282 = arith.constant 0 : i32
        %dma_start3A_283 = tpu.memref_slice %arg9[%dma_start3A_281, %dma_start3A_282] : memref<10240x16xf32, #tpu.memory_space<vmem_shared>> -> memref<10240x16xf32, #tpu.memory_space<vmem_shared>>
        tpu.enqueue_indirect_dma source(%dma_start3A_283 : memref<10240x16xf32, #tpu.memory_space<vmem_shared>>) target(%dma_start3A_277 : memref<128x16xf32, #tpu.memory_space<vmem>>) offsets(%dma_start3A_280 : memref<128xi32, #tpu.memory_space<vmem>>) semaphore(%arg11 : memref<!tpu.dma_semaphore, #tpu.memory_space<semaphore_mem>>)
      } else {
      }
      %add3A_203 = arith.constant 1 : i32
      %add3A_204 = arith.addi %mul3A_80, %add3A_203 : i32
      %dma_wait3A_205 = arith.constant 1 : i32
      %dma_wait3A_206 = arith.constant 0 : i32
      %dma_wait3A_207 = arith.constant 0 : i32
      %dma_wait3A_208 = tpu.memref_slice %arg8[%dma_wait3A_205, %dma_wait3A_206, %dma_wait3A_207] : memref<4x128x16xf32, #tpu.memory_space<vmem>> -> memref<1x128x16xf32, #tpu.memory_space<vmem>>
      %dma_wait3A_209 = tpu.memref_squeeze %dma_wait3A_208 : memref<1x128x16xf32, #tpu.memory_space<vmem>> -> memref<128x16xf32, #tpu.memory_space<vmem>>
      %dma_wait3A_210 = arith.constant 0 : i32
      %dma_wait3A_211 = tpu.memref_slice %arg7[%add3A_204, %dma_wait3A_210] : memref<80x128xi32, #tpu.memory_space<vmem>> -> memref<1x128xi32, #tpu.memory_space<vmem>>
      %dma_wait3A_212 = tpu.memref_squeeze %dma_wait3A_211 : memref<1x128xi32, #tpu.memory_space<vmem>> -> memref<128xi32, #tpu.memory_space<vmem>>
      %dma_wait3A_213 = arith.constant 0 : i32
      %dma_wait3A_214 = arith.constant 0 : i32
      %dma_wait3A_215 = tpu.memref_slice %arg10[%dma_wait3A_213, %dma_wait3A_214] : memref<10240x16xf32, #tpu.memory_space<vmem_shared>> -> memref<10240x16xf32, #tpu.memory_space<vmem_shared>>
      tpu.wait_indirect_dma semaphore(%arg12 : memref<!tpu.dma_semaphore, #tpu.memory_space<semaphore_mem>>) src(%dma_wait3A_209 : memref<128x16xf32, #tpu.memory_space<vmem>>) dst(%dma_wait3A_215 : memref<10240x16xf32, #tpu.memory_space<vmem_shared>>)
      %add3A_216 = arith.constant 1 : i32
      %add3A_217 = arith.addi %mul3A_80, %add3A_216 : i32
      %add3A_218 = arith.constant 4 : i32
      %add3A_219 = arith.addi %add3A_217, %add3A_218 : i32
      %lt3A_220 = arith.constant 80 : i32
      %lt3A_221 = arith.cmpi slt, %add3A_219, %lt3A_220 : i32
      %convert_element_type3A_222 = arith.extui %lt3A_221 : i1 to i32
      %cond3A_223 = arith.constant 0 : i32
      %cond3A_224 = arith.cmpi ne, %convert_element_type3A_222, %cond3A_223 : i32
      scf.if %cond3A_224 {
        %add3A_269 = arith.constant 1 : i32
        %add3A_270 = arith.addi %mul3A_80, %add3A_269 : i32
        %add3A_271 = arith.constant 4 : i32
        %add3A_272 = arith.addi %add3A_270, %add3A_271 : i32
        %dma_start3A_273 = arith.constant 1 : i32
        %dma_start3A_274 = arith.constant 0 : i32
        %dma_start3A_275 = arith.constant 0 : i32
        %dma_start3A_276 = tpu.memref_slice %arg8[%dma_start3A_273, %dma_start3A_274, %dma_start3A_275] : memref<4x128x16xf32, #tpu.memory_space<vmem>> -> memref<1x128x16xf32, #tpu.memory_space<vmem>>
        %dma_start3A_277 = tpu.memref_squeeze %dma_start3A_276 : memref<1x128x16xf32, #tpu.memory_space<vmem>> -> memref<128x16xf32, #tpu.memory_space<vmem>>
        %dma_start3A_278 = arith.constant 0 : i32
        %dma_start3A_279 = tpu.memref_slice %arg6[%add3A_272, %dma_start3A_278] : memref<80x128xi32, #tpu.memory_space<vmem>> -> memref<1x128xi32, #tpu.memory_space<vmem>>
        %dma_start3A_280 = tpu.memref_squeeze %dma_start3A_279 : memref<1x128xi32, #tpu.memory_space<vmem>> -> memref<128xi32, #tpu.memory_space<vmem>>
        %dma_start3A_281 = arith.constant 0 : i32
        %dma_start3A_282 = arith.constant 0 : i32
        %dma_start3A_283 = tpu.memref_slice %arg9[%dma_start3A_281, %dma_start3A_282] : memref<10240x16xf32, #tpu.memory_space<vmem_shared>> -> memref<10240x16xf32, #tpu.memory_space<vmem_shared>>
        tpu.enqueue_indirect_dma source(%dma_start3A_283 : memref<10240x16xf32, #tpu.memory_space<vmem_shared>>) target(%dma_start3A_277 : memref<128x16xf32, #tpu.memory_space<vmem>>) offsets(%dma_start3A_280 : memref<128xi32, #tpu.memory_space<vmem>>) semaphore(%arg11 : memref<!tpu.dma_semaphore, #tpu.memory_space<semaphore_mem>>)
      } else {
      }
      %add3A_225 = arith.constant 2 : i32
      %add3A_226 = arith.addi %mul3A_80, %add3A_225 : i32
      %dma_wait3A_227 = arith.constant 2 : i32
      %dma_wait3A_228 = arith.constant 0 : i32
      %dma_wait3A_229 = arith.constant 0 : i32
      %dma_wait3A_230 = tpu.memref_slice %arg8[%dma_wait3A_227, %dma_wait3A_228, %dma_wait3A_229] : memref<4x128x16xf32, #tpu.memory_space<vmem>> -> memref<1x128x16xf32, #tpu.memory_space<vmem>>
      %dma_wait3A_231 = tpu.memref_squeeze %dma_wait3A_230 : memref<1x128x16xf32, #tpu.memory_space<vmem>> -> memref<128x16xf32, #tpu.memory_space<vmem>>
      %dma_wait3A_232 = arith.constant 0 : i32
      %dma_wait3A_233 = tpu.memref_slice %arg7[%add3A_226, %dma_wait3A_232] : memref<80x128xi32, #tpu.memory_space<vmem>> -> memref<1x128xi32, #tpu.memory_space<vmem>>
      %dma_wait3A_234 = tpu.memref_squeeze %dma_wait3A_233 : memref<1x128xi32, #tpu.memory_space<vmem>> -> memref<128xi32, #tpu.memory_space<vmem>>
      %dma_wait3A_235 = arith.constant 0 : i32
      %dma_wait3A_236 = arith.constant 0 : i32
      %dma_wait3A_237 = tpu.memref_slice %arg10[%dma_wait3A_235, %dma_wait3A_236] : memref<10240x16xf32, #tpu.memory_space<vmem_shared>> -> memref<10240x16xf32, #tpu.memory_space<vmem_shared>>
      tpu.wait_indirect_dma semaphore(%arg12 : memref<!tpu.dma_semaphore, #tpu.memory_space<semaphore_mem>>) src(%dma_wait3A_231 : memref<128x16xf32, #tpu.memory_space<vmem>>) dst(%dma_wait3A_237 : memref<10240x16xf32, #tpu.memory_space<vmem_shared>>)
      %add3A_238 = arith.constant 2 : i32
      %add3A_239 = arith.addi %mul3A_80, %add3A_238 : i32
      %add3A_240 = arith.constant 4 : i32
      %add3A_241 = arith.addi %add3A_239, %add3A_240 : i32
      %lt3A_242 = arith.constant 80 : i32
      %lt3A_243 = arith.cmpi slt, %add3A_241, %lt3A_242 : i32
      %convert_element_type3A_244 = arith.extui %lt3A_243 : i1 to i32
      %cond3A_245 = arith.constant 0 : i32
      %cond3A_246 = arith.cmpi ne, %convert_element_type3A_244, %cond3A_245 : i32
      scf.if %cond3A_246 {
        %add3A_269 = arith.constant 2 : i32
        %add3A_270 = arith.addi %mul3A_80, %add3A_269 : i32
        %add3A_271 = arith.constant 4 : i32
        %add3A_272 = arith.addi %add3A_270, %add3A_271 : i32
        %dma_start3A_273 = arith.constant 2 : i32
        %dma_start3A_274 = arith.constant 0 : i32
        %dma_start3A_275 = arith.constant 0 : i32
        %dma_start3A_276 = tpu.memref_slice %arg8[%dma_start3A_273, %dma_start3A_274, %dma_start3A_275] : memref<4x128x16xf32, #tpu.memory_space<vmem>> -> memref<1x128x16xf32, #tpu.memory_space<vmem>>
        %dma_start3A_277 = tpu.memref_squeeze %dma_start3A_276 : memref<1x128x16xf32, #tpu.memory_space<vmem>> -> memref<128x16xf32, #tpu.memory_space<vmem>>
        %dma_start3A_278 = arith.constant 0 : i32
        %dma_start3A_279 = tpu.memref_slice %arg6[%add3A_272, %dma_start3A_278] : memref<80x128xi32, #tpu.memory_space<vmem>> -> memref<1x128xi32, #tpu.memory_space<vmem>>
        %dma_start3A_280 = tpu.memref_squeeze %dma_start3A_279 : memref<1x128xi32, #tpu.memory_space<vmem>> -> memref<128xi32, #tpu.memory_space<vmem>>
        %dma_start3A_281 = arith.constant 0 : i32
        %dma_start3A_282 = arith.constant 0 : i32
        %dma_start3A_283 = tpu.memref_slice %arg9[%dma_start3A_281, %dma_start3A_282] : memref<10240x16xf32, #tpu.memory_space<vmem_shared>> -> memref<10240x16xf32, #tpu.memory_space<vmem_shared>>
        tpu.enqueue_indirect_dma source(%dma_start3A_283 : memref<10240x16xf32, #tpu.memory_space<vmem_shared>>) target(%dma_start3A_277 : memref<128x16xf32, #tpu.memory_space<vmem>>) offsets(%dma_start3A_280 : memref<128xi32, #tpu.memory_space<vmem>>) semaphore(%arg11 : memref<!tpu.dma_semaphore, #tpu.memory_space<semaphore_mem>>)
      } else {
      }
      %add3A_247 = arith.constant 3 : i32
      %add3A_248 = arith.addi %mul3A_80, %add3A_247 : i32
      %dma_wait3A_249 = arith.constant 3 : i32
      %dma_wait3A_250 = arith.constant 0 : i32
      %dma_wait3A_251 = arith.constant 0 : i32
      %dma_wait3A_252 = tpu.memref_slice %arg8[%dma_wait3A_249, %dma_wait3A_250, %dma_wait3A_251] : memref<4x128x16xf32, #tpu.memory_space<vmem>> -> memref<1x128x16xf32, #tpu.memory_space<vmem>>
      %dma_wait3A_253 = tpu.memref_squeeze %dma_wait3A_252 : memref<1x128x16xf32, #tpu.memory_space<vmem>> -> memref<128x16xf32, #tpu.memory_space<vmem>>
      %dma_wait3A_254 = arith.constant 0 : i32
      %dma_wait3A_255 = tpu.memref_slice %arg7[%add3A_248, %dma_wait3A_254] : memref<80x128xi32, #tpu.memory_space<vmem>> -> memref<1x128xi32, #tpu.memory_space<vmem>>
      %dma_wait3A_256 = tpu.memref_squeeze %dma_wait3A_255 : memref<1x128xi32, #tpu.memory_space<vmem>> -> memref<128xi32, #tpu.memory_space<vmem>>
      %dma_wait3A_257 = arith.constant 0 : i32
      %dma_wait3A_258 = arith.constant 0 : i32
      %dma_wait3A_259 = tpu.memref_slice %arg10[%dma_wait3A_257, %dma_wait3A_258] : memref<10240x16xf32, #tpu.memory_space<vmem_shared>> -> memref<10240x16xf32, #tpu.memory_space<vmem_shared>>
      tpu.wait_indirect_dma semaphore(%arg12 : memref<!tpu.dma_semaphore, #tpu.memory_space<semaphore_mem>>) src(%dma_wait3A_253 : memref<128x16xf32, #tpu.memory_space<vmem>>) dst(%dma_wait3A_259 : memref<10240x16xf32, #tpu.memory_space<vmem_shared>>)
      %add3A_260 = arith.constant 3 : i32
      %add3A_261 = arith.addi %mul3A_80, %add3A_260 : i32
      %add3A_262 = arith.constant 4 : i32
      %add3A_263 = arith.addi %add3A_261, %add3A_262 : i32
      %lt3A_264 = arith.constant 80 : i32
      %lt3A_265 = arith.cmpi slt, %add3A_263, %lt3A_264 : i32
      %convert_element_type3A_266 = arith.extui %lt3A_265 : i1 to i32
      %cond3A_267 = arith.constant 0 : i32
      %cond3A_268 = arith.cmpi ne, %convert_element_type3A_266, %cond3A_267 : i32
      scf.if %cond3A_268 {
        %add3A_269 = arith.constant 3 : i32
        %add3A_270 = arith.addi %mul3A_80, %add3A_269 : i32
        %add3A_271 = arith.constant 4 : i32
        %add3A_272 = arith.addi %add3A_270, %add3A_271 : i32
        %dma_start3A_273 = arith.constant 3 : i32
        %dma_start3A_274 = arith.constant 0 : i32
        %dma_start3A_275 = arith.constant 0 : i32
        %dma_start3A_276 = tpu.memref_slice %arg8[%dma_start3A_273, %dma_start3A_274, %dma_start3A_275] : memref<4x128x16xf32, #tpu.memory_space<vmem>> -> memref<1x128x16xf32, #tpu.memory_space<vmem>>
        %dma_start3A_277 = tpu.memref_squeeze %dma_start3A_276 : memref<1x128x16xf32, #tpu.memory_space<vmem>> -> memref<128x16xf32, #tpu.memory_space<vmem>>
        %dma_start3A_278 = arith.constant 0 : i32
        %dma_start3A_279 = tpu.memref_slice %arg6[%add3A_272, %dma_start3A_278] : memref<80x128xi32, #tpu.memory_space<vmem>> -> memref<1x128xi32, #tpu.memory_space<vmem>>
        %dma_start3A_280 = tpu.memref_squeeze %dma_start3A_279 : memref<1x128xi32, #tpu.memory_space<vmem>> -> memref<128xi32, #tpu.memory_space<vmem>>
        %dma_start3A_281 = arith.constant 0 : i32
        %dma_start3A_282 = arith.constant 0 : i32
        %dma_start3A_283 = tpu.memref_slice %arg9[%dma_start3A_281, %dma_start3A_282] : memref<10240x16xf32, #tpu.memory_space<vmem_shared>> -> memref<10240x16xf32, #tpu.memory_space<vmem_shared>>
        tpu.enqueue_indirect_dma source(%dma_start3A_283 : memref<10240x16xf32, #tpu.memory_space<vmem_shared>>) target(%dma_start3A_277 : memref<128x16xf32, #tpu.memory_space<vmem>>) offsets(%dma_start3A_280 : memref<128xi32, #tpu.memory_space<vmem>>) semaphore(%arg11 : memref<!tpu.dma_semaphore, #tpu.memory_space<semaphore_mem>>)
      } else {
      }
    }
    %scan3A_72 = arith.constant 20 : i32
    %barrier3A_73 = arith.constant 0 : index
    tpu.barrier barrier_id(%barrier3A_73)
    %mul3A_74 = arith.constant 640 : i32
    %mul3A_75 = arith.muli %arg1, %mul3A_74 : i32
    %mul3A_76 = arith.constant 640 : i32
    %mul3A_77 = arith.muli %arg1, %mul3A_76 : i32
    "tpu.region"() ({
      %run_scoped3A = tpu.sem_alloc : memref<!tpu.dma_semaphore, #tpu.memory_space<semaphore_mem>>
      %dma_start3A_78 = arith.constant 0 : i32
      %dma_start3A_79 = tpu.memref_slice %arg5[%arg0, %mul3A_77, %dma_start3A_78] : memref<2x10240x16xf32, #tpu.memory_space<hbm>> -> memref<1x640x16xf32, #tpu.memory_space<hbm>>
      %dma_start3A_80 = tpu.memref_squeeze %dma_start3A_79 : memref<1x640x16xf32, #tpu.memory_space<hbm>> -> memref<640x16xf32, #tpu.memory_space<hbm>>
      %dma_start3A_81 = arith.constant 0 : i32
      %dma_start3A_82 = tpu.memref_slice %arg10[%mul3A_75, %dma_start3A_81] : memref<10240x16xf32, #tpu.memory_space<vmem_shared>> -> memref<640x16xf32, #tpu.memory_space<vmem_shared>>
      tpu.enqueue_dma source(%dma_start3A_82 : memref<640x16xf32, #tpu.memory_space<vmem_shared>>) target(%dma_start3A_80 : memref<640x16xf32, #tpu.memory_space<hbm>>) target_semaphore(%run_scoped3A : memref<!tpu.dma_semaphore, #tpu.memory_space<semaphore_mem>>)
      %dma_wait3A = arith.constant 0 : i32
      %dma_wait3A_83 = tpu.memref_slice %arg5[%arg0, %mul3A_77, %dma_wait3A] : memref<2x10240x16xf32, #tpu.memory_space<hbm>> -> memref<1x640x16xf32, #tpu.memory_space<hbm>>
      %dma_wait3A_84 = tpu.memref_squeeze %dma_wait3A_83 : memref<1x640x16xf32, #tpu.memory_space<hbm>> -> memref<640x16xf32, #tpu.memory_space<hbm>>
      %dma_wait3A_85 = arith.constant 0 : i32
      %dma_wait3A_86 = tpu.memref_slice %arg10[%mul3A_75, %dma_wait3A_85] : memref<10240x16xf32, #tpu.memory_space<vmem_shared>> -> memref<640x16xf32, #tpu.memory_space<vmem_shared>>
      tpu.wait_dma2 semaphore(%run_scoped3A : memref<!tpu.dma_semaphore, #tpu.memory_space<semaphore_mem>>) src(%dma_wait3A_86 : memref<640x16xf32, #tpu.memory_space<vmem_shared>>) dst(%dma_wait3A_84 : memref<640x16xf32, #tpu.memory_space<hbm>>)
      tpu.yield
    }) : () -> ()
    return
  }
}

#map = affine_map<(d0, d1) -> (0, 0)>
module attributes {stable_mosaic.version = 14 : i64} {
  func.func @_deg_kernel(%arg0: i32, %arg1: i32, %arg2: memref<2560x128xi32, #tpu.memory_space<hbm>>, %arg3: memref<2x10240xf32, #tpu.memory_space<hbm>>, %arg4: memref<80x128xi32, #tpu.memory_space<vmem>>, %arg5: memref<128xf32, #tpu.memory_space<vmem>>, %arg6: memref<640xf32, #tpu.memory_space<vmem>>, %arg7: memref<10240xf32, #tpu.memory_space<vmem_shared>>) attributes {dimension_semantics = [#tpu.dimension_semantics<core_parallel>, #tpu.dimension_semantics<subcore_parallel>], iteration_bounds = array<i64: 2, 16>, scalar_prefetch = 0 : i64, scratch_operands = 4 : i64, tpu.core_type = #tpu.core_type<sc_vector_subcore>, window_params = [{transform_indices = #map}, {transform_indices = #map}]} {
    %mul3A = arith.constant 16 : i32
    %mul3A_0 = arith.muli %arg0, %mul3A : i32
    %add3A = arith.addi %mul3A_0, %arg1 : i32
    %scan3A = arith.constant 0 : i32
    %scan3A_1 = arith.constant 0 : i32
    %scan3A_2 = arith.constant 40 : i32
    %scan3A_3 = arith.addi %scan3A_1, %scan3A_2 : i32
    %scan3A_4 = arith.constant 1 : i32
    scf.for %scan3A_67 = %scan3A_1 to %scan3A_3 step %scan3A_4  : i32 {
      %broadcast_in_dim3A_68 = arith.constant 0.000000e+00 : f32
      %broadcast_in_dim3A_69 = vector.broadcast %broadcast_in_dim3A_68 : f32 to vector<16xf32>
      %mul3A_70 = arith.constant 16 : i32
      %mul3A_71 = arith.muli %scan3A_67, %mul3A_70 : i32
      %swap3A_72 = arith.index_cast %mul3A_71 : i32 to index
      %swap3A_73 = tpu.vector_load %arg6[%swap3A_72] {strides = array<i32>} : memref<640xf32, #tpu.memory_space<vmem>>, vector<16xf32>,
      %swap3A_74 = vector.shape_cast %swap3A_73 : vector<16xf32> to vector<16xf32>
      %swap3A_75 = vector.shape_cast %broadcast_in_dim3A_69 : vector<16xf32> to vector<16xf32>
      tpu.vector_store %arg6[%swap3A_72], %swap3A_75 {strides = array<i32>} : memref<640xf32, #tpu.memory_space<vmem>>, vector<16xf32>,
    }
    %scan3A_5 = arith.constant 40 : i32
    %broadcast_in_dim3A = arith.constant 1.000000e+00 : f32
    %broadcast_in_dim3A_6 = vector.broadcast %broadcast_in_dim3A : f32 to vector<16xf32>
    %swap3A = arith.constant 0 : index
    %swap3A_7 = tpu.vector_load %arg5[%swap3A] {strides = array<i32>} : memref<128xf32, #tpu.memory_space<vmem>>, vector<16xf32>,
    %swap3A_8 = vector.shape_cast %swap3A_7 : vector<16xf32> to vector<16xf32>
    %swap3A_9 = vector.shape_cast %broadcast_in_dim3A_6 : vector<16xf32> to vector<16xf32>
    tpu.vector_store %arg5[%swap3A], %swap3A_9 {strides = array<i32>} : memref<128xf32, #tpu.memory_space<vmem>>, vector<16xf32>,
    %broadcast_in_dim3A_10 = arith.constant 1.000000e+00 : f32
    %broadcast_in_dim3A_11 = vector.broadcast %broadcast_in_dim3A_10 : f32 to vector<16xf32>
    %swap3A_12 = arith.constant 16 : index
    %swap3A_13 = tpu.vector_load %arg5[%swap3A_12] {strides = array<i32>} : memref<128xf32, #tpu.memory_space<vmem>>, vector<16xf32>,
    %swap3A_14 = vector.shape_cast %swap3A_13 : vector<16xf32> to vector<16xf32>
    %swap3A_15 = vector.shape_cast %broadcast_in_dim3A_11 : vector<16xf32> to vector<16xf32>
    tpu.vector_store %arg5[%swap3A_12], %swap3A_15 {strides = array<i32>} : memref<128xf32, #tpu.memory_space<vmem>>, vector<16xf32>,
    %broadcast_in_dim3A_16 = arith.constant 1.000000e+00 : f32
    %broadcast_in_dim3A_17 = vector.broadcast %broadcast_in_dim3A_16 : f32 to vector<16xf32>
    %swap3A_18 = arith.constant 32 : index
    %swap3A_19 = tpu.vector_load %arg5[%swap3A_18] {strides = array<i32>} : memref<128xf32, #tpu.memory_space<vmem>>, vector<16xf32>,
    %swap3A_20 = vector.shape_cast %swap3A_19 : vector<16xf32> to vector<16xf32>
    %swap3A_21 = vector.shape_cast %broadcast_in_dim3A_17 : vector<16xf32> to vector<16xf32>
    tpu.vector_store %arg5[%swap3A_18], %swap3A_21 {strides = array<i32>} : memref<128xf32, #tpu.memory_space<vmem>>, vector<16xf32>,
    %broadcast_in_dim3A_22 = arith.constant 1.000000e+00 : f32
    %broadcast_in_dim3A_23 = vector.broadcast %broadcast_in_dim3A_22 : f32 to vector<16xf32>
    %swap3A_24 = arith.constant 48 : index
    %swap3A_25 = tpu.vector_load %arg5[%swap3A_24] {strides = array<i32>} : memref<128xf32, #tpu.memory_space<vmem>>, vector<16xf32>,
    %swap3A_26 = vector.shape_cast %swap3A_25 : vector<16xf32> to vector<16xf32>
    %swap3A_27 = vector.shape_cast %broadcast_in_dim3A_23 : vector<16xf32> to vector<16xf32>
    tpu.vector_store %arg5[%swap3A_24], %swap3A_27 {strides = array<i32>} : memref<128xf32, #tpu.memory_space<vmem>>, vector<16xf32>,
    %broadcast_in_dim3A_28 = arith.constant 1.000000e+00 : f32
    %broadcast_in_dim3A_29 = vector.broadcast %broadcast_in_dim3A_28 : f32 to vector<16xf32>
    %swap3A_30 = arith.constant 64 : index
    %swap3A_31 = tpu.vector_load %arg5[%swap3A_30] {strides = array<i32>} : memref<128xf32, #tpu.memory_space<vmem>>, vector<16xf32>,
    %swap3A_32 = vector.shape_cast %swap3A_31 : vector<16xf32> to vector<16xf32>
    %swap3A_33 = vector.shape_cast %broadcast_in_dim3A_29 : vector<16xf32> to vector<16xf32>
    tpu.vector_store %arg5[%swap3A_30], %swap3A_33 {strides = array<i32>} : memref<128xf32, #tpu.memory_space<vmem>>, vector<16xf32>,
    %broadcast_in_dim3A_34 = arith.constant 1.000000e+00 : f32
    %broadcast_in_dim3A_35 = vector.broadcast %broadcast_in_dim3A_34 : f32 to vector<16xf32>
    %swap3A_36 = arith.constant 80 : index
    %swap3A_37 = tpu.vector_load %arg5[%swap3A_36] {strides = array<i32>} : memref<128xf32, #tpu.memory_space<vmem>>, vector<16xf32>,
    %swap3A_38 = vector.shape_cast %swap3A_37 : vector<16xf32> to vector<16xf32>
    %swap3A_39 = vector.shape_cast %broadcast_in_dim3A_35 : vector<16xf32> to vector<16xf32>
    tpu.vector_store %arg5[%swap3A_36], %swap3A_39 {strides = array<i32>} : memref<128xf32, #tpu.memory_space<vmem>>, vector<16xf32>,
    %broadcast_in_dim3A_40 = arith.constant 1.000000e+00 : f32
    %broadcast_in_dim3A_41 = vector.broadcast %broadcast_in_dim3A_40 : f32 to vector<16xf32>
    %swap3A_42 = arith.constant 96 : index
    %swap3A_43 = tpu.vector_load %arg5[%swap3A_42] {strides = array<i32>} : memref<128xf32, #tpu.memory_space<vmem>>, vector<16xf32>,
    %swap3A_44 = vector.shape_cast %swap3A_43 : vector<16xf32> to vector<16xf32>
    %swap3A_45 = vector.shape_cast %broadcast_in_dim3A_41 : vector<16xf32> to vector<16xf32>
    tpu.vector_store %arg5[%swap3A_42], %swap3A_45 {strides = array<i32>} : memref<128xf32, #tpu.memory_space<vmem>>, vector<16xf32>,
    %broadcast_in_dim3A_46 = arith.constant 1.000000e+00 : f32
    %broadcast_in_dim3A_47 = vector.broadcast %broadcast_in_dim3A_46 : f32 to vector<16xf32>
    %swap3A_48 = arith.constant 112 : index
    %swap3A_49 = tpu.vector_load %arg5[%swap3A_48] {strides = array<i32>} : memref<128xf32, #tpu.memory_space<vmem>>, vector<16xf32>,
    %swap3A_50 = vector.shape_cast %swap3A_49 : vector<16xf32> to vector<16xf32>
    %swap3A_51 = vector.shape_cast %broadcast_in_dim3A_47 : vector<16xf32> to vector<16xf32>
    tpu.vector_store %arg5[%swap3A_48], %swap3A_51 {strides = array<i32>} : memref<128xf32, #tpu.memory_space<vmem>>, vector<16xf32>,
    %mul3A_52 = arith.constant 640 : i32
    %mul3A_53 = arith.muli %arg1, %mul3A_52 : i32
    "tpu.region"() ({
      %run_scoped3A = tpu.sem_alloc : memref<!tpu.dma_semaphore, #tpu.memory_space<semaphore_mem>>
      %dma_start3A = tpu.memref_slice %arg7[%mul3A_53] : memref<10240xf32, #tpu.memory_space<vmem_shared>> -> memref<640xf32, #tpu.memory_space<vmem_shared>>
      %dma_start3A_67 = tpu.memref_slice %arg7[%mul3A_53] : memref<10240xf32, #tpu.memory_space<vmem_shared>> -> memref<640xf32, #tpu.memory_space<vmem_shared>>
      tpu.enqueue_dma source(%arg6 : memref<640xf32, #tpu.memory_space<vmem>>) target(%dma_start3A_67 : memref<640xf32, #tpu.memory_space<vmem_shared>>) target_semaphore(%run_scoped3A : memref<!tpu.dma_semaphore, #tpu.memory_space<semaphore_mem>>)
      %dma_wait3A = tpu.memref_slice %arg7[%mul3A_53] : memref<10240xf32, #tpu.memory_space<vmem_shared>> -> memref<640xf32, #tpu.memory_space<vmem_shared>>
      %dma_wait3A_68 = tpu.memref_slice %arg7[%mul3A_53] : memref<10240xf32, #tpu.memory_space<vmem_shared>> -> memref<640xf32, #tpu.memory_space<vmem_shared>>
      tpu.wait_dma2 semaphore(%run_scoped3A : memref<!tpu.dma_semaphore, #tpu.memory_space<semaphore_mem>>) src(%arg6 : memref<640xf32, #tpu.memory_space<vmem>>) dst(%dma_wait3A_68 : memref<640xf32, #tpu.memory_space<vmem_shared>>)
      tpu.yield
    }) : () -> ()
    %mul3A_54 = arith.constant 80 : i32
    %mul3A_55 = arith.muli %add3A, %mul3A_54 : i32
    "tpu.region"() ({
      %run_scoped3A = tpu.sem_alloc : memref<!tpu.dma_semaphore, #tpu.memory_space<semaphore_mem>>
      %dma_start3A = arith.constant 0 : i32
      %dma_start3A_67 = tpu.memref_slice %arg2[%mul3A_55, %dma_start3A] : memref<2560x128xi32, #tpu.memory_space<hbm>> -> memref<80x128xi32, #tpu.memory_space<hbm>>
      %dma_start3A_68 = arith.constant 0 : i32
      %dma_start3A_69 = tpu.memref_slice %arg2[%mul3A_55, %dma_start3A_68] : memref<2560x128xi32, #tpu.memory_space<hbm>> -> memref<80x128xi32, #tpu.memory_space<hbm>>
      tpu.enqueue_dma source(%dma_start3A_69 : memref<80x128xi32, #tpu.memory_space<hbm>>) target(%arg4 : memref<80x128xi32, #tpu.memory_space<vmem>>) target_semaphore(%run_scoped3A : memref<!tpu.dma_semaphore, #tpu.memory_space<semaphore_mem>>)
      %dma_wait3A = arith.constant 0 : i32
      %dma_wait3A_70 = tpu.memref_slice %arg2[%mul3A_55, %dma_wait3A] : memref<2560x128xi32, #tpu.memory_space<hbm>> -> memref<80x128xi32, #tpu.memory_space<hbm>>
      %dma_wait3A_71 = arith.constant 0 : i32
      %dma_wait3A_72 = tpu.memref_slice %arg2[%mul3A_55, %dma_wait3A_71] : memref<2560x128xi32, #tpu.memory_space<hbm>> -> memref<80x128xi32, #tpu.memory_space<hbm>>
      tpu.wait_dma2 semaphore(%run_scoped3A : memref<!tpu.dma_semaphore, #tpu.memory_space<semaphore_mem>>) src(%dma_wait3A_72 : memref<80x128xi32, #tpu.memory_space<hbm>>) dst(%arg4 : memref<80x128xi32, #tpu.memory_space<vmem>>)
      tpu.yield
    }) : () -> ()
    %barrier3A = arith.constant 0 : index
    tpu.barrier barrier_id(%barrier3A)
    %scan3A_56 = arith.constant 0 : i32
    %scan3A_57 = arith.constant 0 : i32
    %scan3A_58 = arith.constant 80 : i32
    %scan3A_59 = arith.addi %scan3A_57, %scan3A_58 : i32
    %scan3A_60 = arith.constant 1 : i32
    scf.for %scan3A_67 = %scan3A_57 to %scan3A_59 step %scan3A_60  : i32 {
      "tpu.region"() ({
        %run_scoped3A = tpu.sem_alloc : memref<!tpu.dma_semaphore, #tpu.memory_space<semaphore_mem>>
        %dma_start3A = arith.constant 0 : i32
        %dma_start3A_68 = tpu.memref_slice %arg4[%scan3A_67, %dma_start3A] : memref<80x128xi32, #tpu.memory_space<vmem>> -> memref<1x128xi32, #tpu.memory_space<vmem>>
        %dma_start3A_69 = tpu.memref_squeeze %dma_start3A_68 : memref<1x128xi32, #tpu.memory_space<vmem>> -> memref<128xi32, #tpu.memory_space<vmem>>
        %dma_start3A_70 = arith.constant 0 : i32
        %dma_start3A_71 = tpu.memref_slice %arg7[%dma_start3A_70] : memref<10240xf32, #tpu.memory_space<vmem_shared>> -> memref<10240xf32, #tpu.memory_space<vmem_shared>>
        tpu.enqueue_indirect_dma source(%arg5 : memref<128xf32, #tpu.memory_space<vmem>>) target(%dma_start3A_71 : memref<10240xf32, #tpu.memory_space<vmem_shared>>) offsets(%dma_start3A_69 : memref<128xi32, #tpu.memory_space<vmem>>) semaphore(%run_scoped3A : memref<!tpu.dma_semaphore, #tpu.memory_space<semaphore_mem>>) {add = true}
        %dma_wait3A = arith.constant 0 : i32
        %dma_wait3A_72 = tpu.memref_slice %arg4[%scan3A_67, %dma_wait3A] : memref<80x128xi32, #tpu.memory_space<vmem>> -> memref<1x128xi32, #tpu.memory_space<vmem>>
        %dma_wait3A_73 = tpu.memref_squeeze %dma_wait3A_72 : memref<1x128xi32, #tpu.memory_space<vmem>> -> memref<128xi32, #tpu.memory_space<vmem>>
        %dma_wait3A_74 = arith.constant 0 : i32
        %dma_wait3A_75 = tpu.memref_slice %arg7[%dma_wait3A_74] : memref<10240xf32, #tpu.memory_space<vmem_shared>> -> memref<10240xf32, #tpu.memory_space<vmem_shared>>
        tpu.wait_indirect_dma semaphore(%run_scoped3A : memref<!tpu.dma_semaphore, #tpu.memory_space<semaphore_mem>>) src(%arg5 : memref<128xf32, #tpu.memory_space<vmem>>) dst(%dma_wait3A_75 : memref<10240xf32, #tpu.memory_space<vmem_shared>>)
        tpu.yield
      }) : () -> ()
    }
    %scan3A_61 = arith.constant 80 : i32
    %barrier3A_62 = arith.constant 0 : index
    tpu.barrier barrier_id(%barrier3A_62)
    %mul3A_63 = arith.constant 640 : i32
    %mul3A_64 = arith.muli %arg1, %mul3A_63 : i32
    %mul3A_65 = arith.constant 640 : i32
    %mul3A_66 = arith.muli %arg1, %mul3A_65 : i32
    "tpu.region"() ({
      %run_scoped3A = tpu.sem_alloc : memref<!tpu.dma_semaphore, #tpu.memory_space<semaphore_mem>>
      %dma_start3A = tpu.memref_slice %arg3[%arg0, %mul3A_66] : memref<2x10240xf32, #tpu.memory_space<hbm>> -> memref<1x640xf32, #tpu.memory_space<hbm>>
      %dma_start3A_67 = tpu.memref_squeeze %dma_start3A : memref<1x640xf32, #tpu.memory_space<hbm>> -> memref<640xf32, #tpu.memory_space<hbm>>
      %dma_start3A_68 = tpu.memref_slice %arg7[%mul3A_64] : memref<10240xf32, #tpu.memory_space<vmem_shared>> -> memref<640xf32, #tpu.memory_space<vmem_shared>>
      tpu.enqueue_dma source(%dma_start3A_68 : memref<640xf32, #tpu.memory_space<vmem_shared>>) target(%dma_start3A_67 : memref<640xf32, #tpu.memory_space<hbm>>) target_semaphore(%run_scoped3A : memref<!tpu.dma_semaphore, #tpu.memory_space<semaphore_mem>>)
      %dma_wait3A = tpu.memref_slice %arg3[%arg0, %mul3A_66] : memref<2x10240xf32, #tpu.memory_space<hbm>> -> memref<1x640xf32, #tpu.memory_space<hbm>>
      %dma_wait3A_69 = tpu.memref_squeeze %dma_wait3A : memref<1x640xf32, #tpu.memory_space<hbm>> -> memref<640xf32, #tpu.memory_space<hbm>>
      %dma_wait3A_70 = tpu.memref_slice %arg7[%mul3A_64] : memref<10240xf32, #tpu.memory_space<vmem_shared>> -> memref<640xf32, #tpu.memory_space<vmem_shared>>
      tpu.wait_dma2 semaphore(%run_scoped3A : memref<!tpu.dma_semaphore, #tpu.memory_space<semaphore_mem>>) src(%dma_wait3A_70 : memref<640xf32, #tpu.memory_space<vmem_shared>>) dst(%dma_wait3A_69 : memref<640xf32, #tpu.memory_space<hbm>>)
      tpu.yield
    }) : () -> ()
    return
  }
}

#map = affine_map<(d0, d1) -> (0, 0)>
#map1 = affine_map<(d0, d1) -> (0, 0, 0)>
module attributes {stable_mosaic.version = 14 : i64} {
  func.func @_edge_scatter(%arg0: i32, %arg1: i32, %arg2: memref<10240x16xf32, #tpu.memory_space<hbm>>, %arg3: memref<2560x128xi32, #tpu.memory_space<hbm>>, %arg4: memref<2560x128xi32, #tpu.memory_space<hbm>>, %arg5: memref<2x10240x16xf32, #tpu.memory_space<hbm>>, %arg6: memref<80x128xi32, #tpu.memory_space<vmem>>, %arg7: memref<80x128xi32, #tpu.memory_space<vmem>>, %arg8: memref<4x128x16xf32, #tpu.memory_space<vmem>>, %arg9: memref<10240x16xf32, #tpu.memory_space<vmem_shared>>, %arg10: memref<10240x16xf32, #tpu.memory_space<vmem_shared>>, %arg11: memref<!tpu.dma_semaphore, #tpu.memory_space<semaphore_mem>>, %arg12: memref<!tpu.dma_semaphore, #tpu.memory_space<semaphore_mem>>) attributes {dimension_semantics = [#tpu.dimension_semantics<core_parallel>, #tpu.dimension_semantics<subcore_parallel>], iteration_bounds = array<i64: 2, 16>, scalar_prefetch = 0 : i64, scratch_operands = 7 : i64, tpu.core_type = #tpu.core_type<sc_vector_subcore>, window_params = [{transform_indices = #map}, {transform_indices = #map}, {transform_indices = #map}, {transform_indices = #map1}]} {
    %mul3A = arith.constant 16 : i32
    %mul3A_0 = arith.muli %arg0, %mul3A : i32
    %add3A = arith.addi %mul3A_0, %arg1 : i32
    %scan3A = arith.constant 0 : i32
    %scan3A_1 = arith.constant 0 : i32
    %scan3A_2 = arith.constant 128 : i32
    %scan3A_3 = arith.addi %scan3A_1, %scan3A_2 : i32
    %scan3A_4 = arith.constant 1 : i32
    scf.for %scan3A_78 = %scan3A_1 to %scan3A_3 step %scan3A_4  : i32 {
      %broadcast_in_dim3A = arith.constant 0.000000e+00 : f32
      %broadcast_in_dim3A_79 = vector.broadcast %broadcast_in_dim3A : f32 to vector<16xf32>
      %swap3A = arith.constant 3 : i32
      %swap3A_80 = arith.index_cast %swap3A : i32 to index
      %swap3A_81 = arith.index_cast %scan3A_78 : i32 to index
      %swap3A_82 = arith.constant 0 : index
      %swap3A_83 = tpu.vector_load %arg8[%swap3A_80, %swap3A_81, %swap3A_82] {strides = array<i32>} : memref<4x128x16xf32, #tpu.memory_space<vmem>>, vector<1x1x16xf32>,
      %swap3A_84 = vector.shape_cast %swap3A_83 : vector<1x1x16xf32> to vector<16xf32>
      %swap3A_85 = vector.shape_cast %broadcast_in_dim3A_79 : vector<16xf32> to vector<1x1x16xf32>
      tpu.vector_store %arg8[%swap3A_80, %swap3A_81, %swap3A_82], %swap3A_85 {strides = array<i32>} : memref<4x128x16xf32, #tpu.memory_space<vmem>>, vector<1x1x16xf32>,
    }
    %scan3A_5 = arith.constant 128 : i32
    %scan3A_6 = arith.constant 0 : i32
    %scan3A_7 = arith.constant 0 : i32
    %scan3A_8 = arith.constant 5 : i32
    %scan3A_9 = arith.addi %scan3A_7, %scan3A_8 : i32
    %scan3A_10 = arith.constant 1 : i32
    scf.for %scan3A_78 = %scan3A_7 to %scan3A_9 step %scan3A_10  : i32 {
      %mul3A_79 = arith.constant 640 : i32
      %mul3A_80 = arith.muli %arg1, %mul3A_79 : i32
      %mul3A_81 = arith.constant 128 : i32
      %mul3A_82 = arith.muli %scan3A_78, %mul3A_81 : i32
      %add3A_83 = arith.addi %mul3A_80, %mul3A_82 : i32
      %run_scoped3A = arith.constant 3 : i32
      "tpu.region"() ({
        %run_scoped3A_84 = tpu.sem_alloc : memref<!tpu.dma_semaphore, #tpu.memory_space<semaphore_mem>>
        %dma_start3A_85 = arith.constant 0 : i32
        %dma_start3A_86 = arith.constant 0 : i32
        %dma_start3A_87 = tpu.memref_slice %arg8[%run_scoped3A, %dma_start3A_85, %dma_start3A_86] : memref<4x128x16xf32, #tpu.memory_space<vmem>> -> memref<1x128x16xf32, #tpu.memory_space<vmem>>
        %dma_start3A_88 = tpu.memref_squeeze %dma_start3A_87 : memref<1x128x16xf32, #tpu.memory_space<vmem>> -> memref<128x16xf32, #tpu.memory_space<vmem>>
        %dma_start3A_89 = arith.constant 0 : i32
        %dma_start3A_90 = tpu.memref_slice %arg10[%add3A_83, %dma_start3A_89] : memref<10240x16xf32, #tpu.memory_space<vmem_shared>> -> memref<128x16xf32, #tpu.memory_space<vmem_shared>>
        %dma_start3A_91 = arith.constant 0 : i32
        %dma_start3A_92 = tpu.memref_slice %arg10[%add3A_83, %dma_start3A_91] : memref<10240x16xf32, #tpu.memory_space<vmem_shared>> -> memref<128x16xf32, #tpu.memory_space<vmem_shared>>
        %dma_start3A_93 = arith.constant 0 : i32
        %dma_start3A_94 = arith.constant 0 : i32
        %dma_start3A_95 = tpu.memref_slice %arg8[%run_scoped3A, %dma_start3A_93, %dma_start3A_94] : memref<4x128x16xf32, #tpu.memory_space<vmem>> -> memref<1x128x16xf32, #tpu.memory_space<vmem>>
        %dma_start3A_96 = tpu.memref_squeeze %dma_start3A_95 : memref<1x128x16xf32, #tpu.memory_space<vmem>> -> memref<128x16xf32, #tpu.memory_space<vmem>>
        tpu.enqueue_dma source(%dma_start3A_96 : memref<128x16xf32, #tpu.memory_space<vmem>>) target(%dma_start3A_92 : memref<128x16xf32, #tpu.memory_space<vmem_shared>>) target_semaphore(%run_scoped3A_84 : memref<!tpu.dma_semaphore, #tpu.memory_space<semaphore_mem>>)
        %dma_wait3A = arith.constant 0 : i32
        %dma_wait3A_97 = arith.constant 0 : i32
        %dma_wait3A_98 = tpu.memref_slice %arg8[%run_scoped3A, %dma_wait3A, %dma_wait3A_97] : memref<4x128x16xf32, #tpu.memory_space<vmem>> -> memref<1x128x16xf32, #tpu.memory_space<vmem>>
        %dma_wait3A_99 = tpu.memref_squeeze %dma_wait3A_98 : memref<1x128x16xf32, #tpu.memory_space<vmem>> -> memref<128x16xf32, #tpu.memory_space<vmem>>
        %dma_wait3A_100 = arith.constant 0 : i32
        %dma_wait3A_101 = tpu.memref_slice %arg10[%add3A_83, %dma_wait3A_100] : memref<10240x16xf32, #tpu.memory_space<vmem_shared>> -> memref<128x16xf32, #tpu.memory_space<vmem_shared>>
        %dma_wait3A_102 = arith.constant 0 : i32
        %dma_wait3A_103 = tpu.memref_slice %arg10[%add3A_83, %dma_wait3A_102] : memref<10240x16xf32, #tpu.memory_space<vmem_shared>> -> memref<128x16xf32, #tpu.memory_space<vmem_shared>>
        %dma_wait3A_104 = arith.constant 0 : i32
        %dma_wait3A_105 = arith.constant 0 : i32
        %dma_wait3A_106 = tpu.memref_slice %arg8[%run_scoped3A, %dma_wait3A_104, %dma_wait3A_105] : memref<4x128x16xf32, #tpu.memory_space<vmem>> -> memref<1x128x16xf32, #tpu.memory_space<vmem>>
        %dma_wait3A_107 = tpu.memref_squeeze %dma_wait3A_106 : memref<1x128x16xf32, #tpu.memory_space<vmem>> -> memref<128x16xf32, #tpu.memory_space<vmem>>
        tpu.wait_dma2 semaphore(%run_scoped3A_84 : memref<!tpu.dma_semaphore, #tpu.memory_space<semaphore_mem>>) src(%dma_wait3A_107 : memref<128x16xf32, #tpu.memory_space<vmem>>) dst(%dma_wait3A_103 : memref<128x16xf32, #tpu.memory_space<vmem_shared>>)
        tpu.yield
      }) : () -> ()
    }
    %scan3A_11 = arith.constant 5 : i32
    %mul3A_12 = arith.constant 80 : i32
    %mul3A_13 = arith.muli %add3A, %mul3A_12 : i32
    "tpu.region"() ({
      %run_scoped3A = tpu.sem_alloc : memref<!tpu.dma_semaphore, #tpu.memory_space<semaphore_mem>>
      %dma_start3A_78 = arith.constant 0 : i32
      %dma_start3A_79 = tpu.memref_slice %arg3[%mul3A_13, %dma_start3A_78] : memref<2560x128xi32, #tpu.memory_space<hbm>> -> memref<80x128xi32, #tpu.memory_space<hbm>>
      %dma_start3A_80 = arith.constant 0 : i32
      %dma_start3A_81 = tpu.memref_slice %arg3[%mul3A_13, %dma_start3A_80] : memref<2560x128xi32, #tpu.memory_space<hbm>> -> memref<80x128xi32, #tpu.memory_space<hbm>>
      tpu.enqueue_dma source(%dma_start3A_81 : memref<80x128xi32, #tpu.memory_space<hbm>>) target(%arg6 : memref<80x128xi32, #tpu.memory_space<vmem>>) target_semaphore(%run_scoped3A : memref<!tpu.dma_semaphore, #tpu.memory_space<semaphore_mem>>)
      %dma_wait3A = arith.constant 0 : i32
      %dma_wait3A_82 = tpu.memref_slice %arg3[%mul3A_13, %dma_wait3A] : memref<2560x128xi32, #tpu.memory_space<hbm>> -> memref<80x128xi32, #tpu.memory_space<hbm>>
      %dma_wait3A_83 = arith.constant 0 : i32
      %dma_wait3A_84 = tpu.memref_slice %arg3[%mul3A_13, %dma_wait3A_83] : memref<2560x128xi32, #tpu.memory_space<hbm>> -> memref<80x128xi32, #tpu.memory_space<hbm>>
      tpu.wait_dma2 semaphore(%run_scoped3A : memref<!tpu.dma_semaphore, #tpu.memory_space<semaphore_mem>>) src(%dma_wait3A_84 : memref<80x128xi32, #tpu.memory_space<hbm>>) dst(%arg6 : memref<80x128xi32, #tpu.memory_space<vmem>>)
      tpu.yield
    }) : () -> ()
    %mul3A_14 = arith.constant 80 : i32
    %mul3A_15 = arith.muli %add3A, %mul3A_14 : i32
    "tpu.region"() ({
      %run_scoped3A = tpu.sem_alloc : memref<!tpu.dma_semaphore, #tpu.memory_space<semaphore_mem>>
      %dma_start3A_78 = arith.constant 0 : i32
      %dma_start3A_79 = tpu.memref_slice %arg4[%mul3A_15, %dma_start3A_78] : memref<2560x128xi32, #tpu.memory_space<hbm>> -> memref<80x128xi32, #tpu.memory_space<hbm>>
      %dma_start3A_80 = arith.constant 0 : i32
      %dma_start3A_81 = tpu.memref_slice %arg4[%mul3A_15, %dma_start3A_80] : memref<2560x128xi32, #tpu.memory_space<hbm>> -> memref<80x128xi32, #tpu.memory_space<hbm>>
      tpu.enqueue_dma source(%dma_start3A_81 : memref<80x128xi32, #tpu.memory_space<hbm>>) target(%arg7 : memref<80x128xi32, #tpu.memory_space<vmem>>) target_semaphore(%run_scoped3A : memref<!tpu.dma_semaphore, #tpu.memory_space<semaphore_mem>>)
      %dma_wait3A = arith.constant 0 : i32
      %dma_wait3A_82 = tpu.memref_slice %arg4[%mul3A_15, %dma_wait3A] : memref<2560x128xi32, #tpu.memory_space<hbm>> -> memref<80x128xi32, #tpu.memory_space<hbm>>
      %dma_wait3A_83 = arith.constant 0 : i32
      %dma_wait3A_84 = tpu.memref_slice %arg4[%mul3A_15, %dma_wait3A_83] : memref<2560x128xi32, #tpu.memory_space<hbm>> -> memref<80x128xi32, #tpu.memory_space<hbm>>
      tpu.wait_dma2 semaphore(%run_scoped3A : memref<!tpu.dma_semaphore, #tpu.memory_space<semaphore_mem>>) src(%dma_wait3A_84 : memref<80x128xi32, #tpu.memory_space<hbm>>) dst(%arg7 : memref<80x128xi32, #tpu.memory_space<vmem>>)
      tpu.yield
    }) : () -> ()
    %mul3A_16 = arith.constant 640 : i32
    %mul3A_17 = arith.muli %arg1, %mul3A_16 : i32
    %mul3A_18 = arith.constant 640 : i32
    %mul3A_19 = arith.muli %arg1, %mul3A_18 : i32
    "tpu.region"() ({
      %run_scoped3A = tpu.sem_alloc : memref<!tpu.dma_semaphore, #tpu.memory_space<semaphore_mem>>
      %dma_start3A_78 = arith.constant 0 : i32
      %dma_start3A_79 = tpu.memref_slice %arg9[%mul3A_19, %dma_start3A_78] : memref<10240x16xf32, #tpu.memory_space<vmem_shared>> -> memref<640x16xf32, #tpu.memory_space<vmem_shared>>
      %dma_start3A_80 = arith.constant 0 : i32
      %dma_start3A_81 = tpu.memref_slice %arg2[%mul3A_17, %dma_start3A_80] : memref<10240x16xf32, #tpu.memory_space<hbm>> -> memref<640x16xf32, #tpu.memory_space<hbm>>
      tpu.enqueue_dma source(%dma_start3A_81 : memref<640x16xf32, #tpu.memory_space<hbm>>) target(%dma_start3A_79 : memref<640x16xf32, #tpu.memory_space<vmem_shared>>) target_semaphore(%run_scoped3A : memref<!tpu.dma_semaphore, #tpu.memory_space<semaphore_mem>>)
      %dma_wait3A = arith.constant 0 : i32
      %dma_wait3A_82 = tpu.memref_slice %arg9[%mul3A_19, %dma_wait3A] : memref<10240x16xf32, #tpu.memory_space<vmem_shared>> -> memref<640x16xf32, #tpu.memory_space<vmem_shared>>
      %dma_wait3A_83 = arith.constant 0 : i32
      %dma_wait3A_84 = tpu.memref_slice %arg2[%mul3A_17, %dma_wait3A_83] : memref<10240x16xf32, #tpu.memory_space<hbm>> -> memref<640x16xf32, #tpu.memory_space<hbm>>
      tpu.wait_dma2 semaphore(%run_scoped3A : memref<!tpu.dma_semaphore, #tpu.memory_space<semaphore_mem>>) src(%dma_wait3A_84 : memref<640x16xf32, #tpu.memory_space<hbm>>) dst(%dma_wait3A_82 : memref<640x16xf32, #tpu.memory_space<vmem_shared>>)
      tpu.yield
    }) : () -> ()
    %barrier3A = arith.constant 0 : index
    tpu.barrier barrier_id(%barrier3A)
    %dma_start3A = arith.constant 0 : i32
    %dma_start3A_20 = arith.constant 0 : i32
    %dma_start3A_21 = arith.constant 0 : i32
    %dma_start3A_22 = arith.constant 0 : i32
    %dma_start3A_23 = tpu.memref_slice %arg8[%dma_start3A_20, %dma_start3A_21, %dma_start3A_22] : memref<4x128x16xf32, #tpu.memory_space<vmem>> -> memref<1x128x16xf32, #tpu.memory_space<vmem>>
    %dma_start3A_24 = tpu.memref_squeeze %dma_start3A_23 : memref<1x128x16xf32, #tpu.memory_space<vmem>> -> memref<128x16xf32, #tpu.memory_space<vmem>>
    %dma_start3A_25 = arith.constant 0 : i32
    %dma_start3A_26 = tpu.memref_slice %arg6[%dma_start3A, %dma_start3A_25] : memref<80x128xi32, #tpu.memory_space<vmem>> -> memref<1x128xi32, #tpu.memory_space<vmem>>
    %dma_start3A_27 = tpu.memref_squeeze %dma_start3A_26 : memref<1x128xi32, #tpu.memory_space<vmem>> -> memref<128xi32, #tpu.memory_space<vmem>>
    %dma_start3A_28 = arith.constant 0 : i32
    %dma_start3A_29 = arith.constant 0 : i32
    %dma_start3A_30 = tpu.memref_slice %arg9[%dma_start3A_28, %dma_start3A_29] : memref<10240x16xf32, #tpu.memory_space<vmem_shared>> -> memref<10240x16xf32, #tpu.memory_space<vmem_shared>>
    tpu.enqueue_indirect_dma source(%dma_start3A_30 : memref<10240x16xf32, #tpu.memory_space<vmem_shared>>) target(%dma_start3A_24 : memref<128x16xf32, #tpu.memory_space<vmem>>) offsets(%dma_start3A_27 : memref<128xi32, #tpu.memory_space<vmem>>) semaphore(%arg11 : memref<!tpu.dma_semaphore, #tpu.memory_space<semaphore_mem>>)
    %dma_start3A_31 = arith.constant 1 : i32
    %dma_start3A_32 = arith.constant 1 : i32
    %dma_start3A_33 = arith.constant 0 : i32
    %dma_start3A_34 = arith.constant 0 : i32
    %dma_start3A_35 = tpu.memref_slice %arg8[%dma_start3A_32, %dma_start3A_33, %dma_start3A_34] : memref<4x128x16xf32, #tpu.memory_space<vmem>> -> memref<1x128x16xf32, #tpu.memory_space<vmem>>
    %dma_start3A_36 = tpu.memref_squeeze %dma_start3A_35 : memref<1x128x16xf32, #tpu.memory_space<vmem>> -> memref<128x16xf32, #tpu.memory_space<vmem>>
    %dma_start3A_37 = arith.constant 0 : i32
    %dma_start3A_38 = tpu.memref_slice %arg6[%dma_start3A_31, %dma_start3A_37] : memref<80x128xi32, #tpu.memory_space<vmem>> -> memref<1x128xi32, #tpu.memory_space<vmem>>
    %dma_start3A_39 = tpu.memref_squeeze %dma_start3A_38 : memref<1x128xi32, #tpu.memory_space<vmem>> -> memref<128xi32, #tpu.memory_space<vmem>>
    %dma_start3A_40 = arith.constant 0 : i32
    %dma_start3A_41 = arith.constant 0 : i32
    %dma_start3A_42 = tpu.memref_slice %arg9[%dma_start3A_40, %dma_start3A_41] : memref<10240x16xf32, #tpu.memory_space<vmem_shared>> -> memref<10240x16xf32, #tpu.memory_space<vmem_shared>>
    tpu.enqueue_indirect_dma source(%dma_start3A_42 : memref<10240x16xf32, #tpu.memory_space<vmem_shared>>) target(%dma_start3A_36 : memref<128x16xf32, #tpu.memory_space<vmem>>) offsets(%dma_start3A_39 : memref<128xi32, #tpu.memory_space<vmem>>) semaphore(%arg11 : memref<!tpu.dma_semaphore, #tpu.memory_space<semaphore_mem>>)
    %dma_start3A_43 = arith.constant 2 : i32
    %dma_start3A_44 = arith.constant 2 : i32
    %dma_start3A_45 = arith.constant 0 : i32
    %dma_start3A_46 = arith.constant 0 : i32
    %dma_start3A_47 = tpu.memref_slice %arg8[%dma_start3A_44, %dma_start3A_45, %dma_start3A_46] : memref<4x128x16xf32, #tpu.memory_space<vmem>> -> memref<1x128x16xf32, #tpu.memory_space<vmem>>
    %dma_start3A_48 = tpu.memref_squeeze %dma_start3A_47 : memref<1x128x16xf32, #tpu.memory_space<vmem>> -> memref<128x16xf32, #tpu.memory_space<vmem>>
    %dma_start3A_49 = arith.constant 0 : i32
    %dma_start3A_50 = tpu.memref_slice %arg6[%dma_start3A_43, %dma_start3A_49] : memref<80x128xi32, #tpu.memory_space<vmem>> -> memref<1x128xi32, #tpu.memory_space<vmem>>
    %dma_start3A_51 = tpu.memref_squeeze %dma_start3A_50 : memref<1x128xi32, #tpu.memory_space<vmem>> -> memref<128xi32, #tpu.memory_space<vmem>>
    %dma_start3A_52 = arith.constant 0 : i32
    %dma_start3A_53 = arith.constant 0 : i32
    %dma_start3A_54 = tpu.memref_slice %arg9[%dma_start3A_52, %dma_start3A_53] : memref<10240x16xf32, #tpu.memory_space<vmem_shared>> -> memref<10240x16xf32, #tpu.memory_space<vmem_shared>>
    tpu.enqueue_indirect_dma source(%dma_start3A_54 : memref<10240x16xf32, #tpu.memory_space<vmem_shared>>) target(%dma_start3A_48 : memref<128x16xf32, #tpu.memory_space<vmem>>) offsets(%dma_start3A_51 : memref<128xi32, #tpu.memory_space<vmem>>) semaphore(%arg11 : memref<!tpu.dma_semaphore, #tpu.memory_space<semaphore_mem>>)
    %dma_start3A_55 = arith.constant 3 : i32
    %dma_start3A_56 = arith.constant 3 : i32
    %dma_start3A_57 = arith.constant 0 : i32
    %dma_start3A_58 = arith.constant 0 : i32
    %dma_start3A_59 = tpu.memref_slice %arg8[%dma_start3A_56, %dma_start3A_57, %dma_start3A_58] : memref<4x128x16xf32, #tpu.memory_space<vmem>> -> memref<1x128x16xf32, #tpu.memory_space<vmem>>
    %dma_start3A_60 = tpu.memref_squeeze %dma_start3A_59 : memref<1x128x16xf32, #tpu.memory_space<vmem>> -> memref<128x16xf32, #tpu.memory_space<vmem>>
    %dma_start3A_61 = arith.constant 0 : i32
    %dma_start3A_62 = tpu.memref_slice %arg6[%dma_start3A_55, %dma_start3A_61] : memref<80x128xi32, #tpu.memory_space<vmem>> -> memref<1x128xi32, #tpu.memory_space<vmem>>
    %dma_start3A_63 = tpu.memref_squeeze %dma_start3A_62 : memref<1x128xi32, #tpu.memory_space<vmem>> -> memref<128xi32, #tpu.memory_space<vmem>>
    %dma_start3A_64 = arith.constant 0 : i32
    %dma_start3A_65 = arith.constant 0 : i32
    %dma_start3A_66 = tpu.memref_slice %arg9[%dma_start3A_64, %dma_start3A_65] : memref<10240x16xf32, #tpu.memory_space<vmem_shared>> -> memref<10240x16xf32, #tpu.memory_space<vmem_shared>>
    tpu.enqueue_indirect_dma source(%dma_start3A_66 : memref<10240x16xf32, #tpu.memory_space<vmem_shared>>) target(%dma_start3A_60 : memref<128x16xf32, #tpu.memory_space<vmem>>) offsets(%dma_start3A_63 : memref<128xi32, #tpu.memory_space<vmem>>) semaphore(%arg11 : memref<!tpu.dma_semaphore, #tpu.memory_space<semaphore_mem>>)
    %scan3A_67 = arith.constant 0 : i32
    %scan3A_68 = arith.constant 0 : i32
    %scan3A_69 = arith.constant 20 : i32
    %scan3A_70 = arith.addi %scan3A_68, %scan3A_69 : i32
    %scan3A_71 = arith.constant 1 : i32
    scf.for %scan3A_78 = %scan3A_68 to %scan3A_70 step %scan3A_71  : i32 {
      %mul3A_79 = arith.constant 4 : i32
      %mul3A_80 = arith.muli %scan3A_78, %mul3A_79 : i32
      %add3A_81 = arith.constant 0 : i32
      %add3A_82 = arith.addi %mul3A_80, %add3A_81 : i32
      %dma_wait3A = arith.constant 0 : i32
      %dma_wait3A_83 = arith.constant 0 : i32
      %dma_wait3A_84 = arith.constant 0 : i32
      %dma_wait3A_85 = tpu.memref_slice %arg8[%dma_wait3A, %dma_wait3A_83, %dma_wait3A_84] : memref<4x128x16xf32, #tpu.memory_space<vmem>> -> memref<1x128x16xf32, #tpu.memory_space<vmem>>
      %dma_wait3A_86 = tpu.memref_squeeze %dma_wait3A_85 : memref<1x128x16xf32, #tpu.memory_space<vmem>> -> memref<128x16xf32, #tpu.memory_space<vmem>>
      %dma_wait3A_87 = arith.constant 0 : i32
      %dma_wait3A_88 = tpu.memref_slice %arg6[%add3A_82, %dma_wait3A_87] : memref<80x128xi32, #tpu.memory_space<vmem>> -> memref<1x128xi32, #tpu.memory_space<vmem>>
      %dma_wait3A_89 = tpu.memref_squeeze %dma_wait3A_88 : memref<1x128xi32, #tpu.memory_space<vmem>> -> memref<128xi32, #tpu.memory_space<vmem>>
      %dma_wait3A_90 = arith.constant 0 : i32
      %dma_wait3A_91 = arith.constant 0 : i32
      %dma_wait3A_92 = tpu.memref_slice %arg9[%dma_wait3A_90, %dma_wait3A_91] : memref<10240x16xf32, #tpu.memory_space<vmem_shared>> -> memref<10240x16xf32, #tpu.memory_space<vmem_shared>>
      tpu.wait_indirect_dma semaphore(%arg11 : memref<!tpu.dma_semaphore, #tpu.memory_space<semaphore_mem>>) src(%dma_wait3A_92 : memref<10240x16xf32, #tpu.memory_space<vmem_shared>>) dst(%dma_wait3A_86 : memref<128x16xf32, #tpu.memory_space<vmem>>)
      %add3A_93 = arith.constant 0 : i32
      %add3A_94 = arith.addi %mul3A_80, %add3A_93 : i32
      %dma_start3A_95 = arith.constant 0 : i32
      %dma_start3A_96 = arith.constant 0 : i32
      %dma_start3A_97 = arith.constant 0 : i32
      %dma_start3A_98 = tpu.memref_slice %arg8[%dma_start3A_95, %dma_start3A_96, %dma_start3A_97] : memref<4x128x16xf32, #tpu.memory_space<vmem>> -> memref<1x128x16xf32, #tpu.memory_space<vmem>>
      %dma_start3A_99 = tpu.memref_squeeze %dma_start3A_98 : memref<1x128x16xf32, #tpu.memory_space<vmem>> -> memref<128x16xf32, #tpu.memory_space<vmem>>
      %dma_start3A_100 = arith.constant 0 : i32
      %dma_start3A_101 = tpu.memref_slice %arg7[%add3A_94, %dma_start3A_100] : memref<80x128xi32, #tpu.memory_space<vmem>> -> memref<1x128xi32, #tpu.memory_space<vmem>>
      %dma_start3A_102 = tpu.memref_squeeze %dma_start3A_101 : memref<1x128xi32, #tpu.memory_space<vmem>> -> memref<128xi32, #tpu.memory_space<vmem>>
      %dma_start3A_103 = arith.constant 0 : i32
      %dma_start3A_104 = arith.constant 0 : i32
      %dma_start3A_105 = tpu.memref_slice %arg10[%dma_start3A_103, %dma_start3A_104] : memref<10240x16xf32, #tpu.memory_space<vmem_shared>> -> memref<10240x16xf32, #tpu.memory_space<vmem_shared>>
      tpu.enqueue_indirect_dma source(%dma_start3A_99 : memref<128x16xf32, #tpu.memory_space<vmem>>) target(%dma_start3A_105 : memref<10240x16xf32, #tpu.memory_space<vmem_shared>>) offsets(%dma_start3A_102 : memref<128xi32, #tpu.memory_space<vmem>>) semaphore(%arg12 : memref<!tpu.dma_semaphore, #tpu.memory_space<semaphore_mem>>) {add = true}
      %add3A_106 = arith.constant 1 : i32
      %add3A_107 = arith.addi %mul3A_80, %add3A_106 : i32
      %dma_wait3A_108 = arith.constant 1 : i32
      %dma_wait3A_109 = arith.constant 0 : i32
      %dma_wait3A_110 = arith.constant 0 : i32
      %dma_wait3A_111 = tpu.memref_slice %arg8[%dma_wait3A_108, %dma_wait3A_109, %dma_wait3A_110] : memref<4x128x16xf32, #tpu.memory_space<vmem>> -> memref<1x128x16xf32, #tpu.memory_space<vmem>>
      %dma_wait3A_112 = tpu.memref_squeeze %dma_wait3A_111 : memref<1x128x16xf32, #tpu.memory_space<vmem>> -> memref<128x16xf32, #tpu.memory_space<vmem>>
      %dma_wait3A_113 = arith.constant 0 : i32
      %dma_wait3A_114 = tpu.memref_slice %arg6[%add3A_107, %dma_wait3A_113] : memref<80x128xi32, #tpu.memory_space<vmem>> -> memref<1x128xi32, #tpu.memory_space<vmem>>
      %dma_wait3A_115 = tpu.memref_squeeze %dma_wait3A_114 : memref<1x128xi32, #tpu.memory_space<vmem>> -> memref<128xi32, #tpu.memory_space<vmem>>
      %dma_wait3A_116 = arith.constant 0 : i32
      %dma_wait3A_117 = arith.constant 0 : i32
      %dma_wait3A_118 = tpu.memref_slice %arg9[%dma_wait3A_116, %dma_wait3A_117] : memref<10240x16xf32, #tpu.memory_space<vmem_shared>> -> memref<10240x16xf32, #tpu.memory_space<vmem_shared>>
      tpu.wait_indirect_dma semaphore(%arg11 : memref<!tpu.dma_semaphore, #tpu.memory_space<semaphore_mem>>) src(%dma_wait3A_118 : memref<10240x16xf32, #tpu.memory_space<vmem_shared>>) dst(%dma_wait3A_112 : memref<128x16xf32, #tpu.memory_space<vmem>>)
      %add3A_119 = arith.constant 1 : i32
      %add3A_120 = arith.addi %mul3A_80, %add3A_119 : i32
      %dma_start3A_121 = arith.constant 1 : i32
      %dma_start3A_122 = arith.constant 0 : i32
      %dma_start3A_123 = arith.constant 0 : i32
      %dma_start3A_124 = tpu.memref_slice %arg8[%dma_start3A_121, %dma_start3A_122, %dma_start3A_123] : memref<4x128x16xf32, #tpu.memory_space<vmem>> -> memref<1x128x16xf32, #tpu.memory_space<vmem>>
      %dma_start3A_125 = tpu.memref_squeeze %dma_start3A_124 : memref<1x128x16xf32, #tpu.memory_space<vmem>> -> memref<128x16xf32, #tpu.memory_space<vmem>>
      %dma_start3A_126 = arith.constant 0 : i32
      %dma_start3A_127 = tpu.memref_slice %arg7[%add3A_120, %dma_start3A_126] : memref<80x128xi32, #tpu.memory_space<vmem>> -> memref<1x128xi32, #tpu.memory_space<vmem>>
      %dma_start3A_128 = tpu.memref_squeeze %dma_start3A_127 : memref<1x128xi32, #tpu.memory_space<vmem>> -> memref<128xi32, #tpu.memory_space<vmem>>
      %dma_start3A_129 = arith.constant 0 : i32
      %dma_start3A_130 = arith.constant 0 : i32
      %dma_start3A_131 = tpu.memref_slice %arg10[%dma_start3A_129, %dma_start3A_130] : memref<10240x16xf32, #tpu.memory_space<vmem_shared>> -> memref<10240x16xf32, #tpu.memory_space<vmem_shared>>
      tpu.enqueue_indirect_dma source(%dma_start3A_125 : memref<128x16xf32, #tpu.memory_space<vmem>>) target(%dma_start3A_131 : memref<10240x16xf32, #tpu.memory_space<vmem_shared>>) offsets(%dma_start3A_128 : memref<128xi32, #tpu.memory_space<vmem>>) semaphore(%arg12 : memref<!tpu.dma_semaphore, #tpu.memory_space<semaphore_mem>>) {add = true}
      %add3A_132 = arith.constant 2 : i32
      %add3A_133 = arith.addi %mul3A_80, %add3A_132 : i32
      %dma_wait3A_134 = arith.constant 2 : i32
      %dma_wait3A_135 = arith.constant 0 : i32
      %dma_wait3A_136 = arith.constant 0 : i32
      %dma_wait3A_137 = tpu.memref_slice %arg8[%dma_wait3A_134, %dma_wait3A_135, %dma_wait3A_136] : memref<4x128x16xf32, #tpu.memory_space<vmem>> -> memref<1x128x16xf32, #tpu.memory_space<vmem>>
      %dma_wait3A_138 = tpu.memref_squeeze %dma_wait3A_137 : memref<1x128x16xf32, #tpu.memory_space<vmem>> -> memref<128x16xf32, #tpu.memory_space<vmem>>
      %dma_wait3A_139 = arith.constant 0 : i32
      %dma_wait3A_140 = tpu.memref_slice %arg6[%add3A_133, %dma_wait3A_139] : memref<80x128xi32, #tpu.memory_space<vmem>> -> memref<1x128xi32, #tpu.memory_space<vmem>>
      %dma_wait3A_141 = tpu.memref_squeeze %dma_wait3A_140 : memref<1x128xi32, #tpu.memory_space<vmem>> -> memref<128xi32, #tpu.memory_space<vmem>>
      %dma_wait3A_142 = arith.constant 0 : i32
      %dma_wait3A_143 = arith.constant 0 : i32
      %dma_wait3A_144 = tpu.memref_slice %arg9[%dma_wait3A_142, %dma_wait3A_143] : memref<10240x16xf32, #tpu.memory_space<vmem_shared>> -> memref<10240x16xf32, #tpu.memory_space<vmem_shared>>
      tpu.wait_indirect_dma semaphore(%arg11 : memref<!tpu.dma_semaphore, #tpu.memory_space<semaphore_mem>>) src(%dma_wait3A_144 : memref<10240x16xf32, #tpu.memory_space<vmem_shared>>) dst(%dma_wait3A_138 : memref<128x16xf32, #tpu.memory_space<vmem>>)
      %add3A_145 = arith.constant 2 : i32
      %add3A_146 = arith.addi %mul3A_80, %add3A_145 : i32
      %dma_start3A_147 = arith.constant 2 : i32
      %dma_start3A_148 = arith.constant 0 : i32
      %dma_start3A_149 = arith.constant 0 : i32
      %dma_start3A_150 = tpu.memref_slice %arg8[%dma_start3A_147, %dma_start3A_148, %dma_start3A_149] : memref<4x128x16xf32, #tpu.memory_space<vmem>> -> memref<1x128x16xf32, #tpu.memory_space<vmem>>
      %dma_start3A_151 = tpu.memref_squeeze %dma_start3A_150 : memref<1x128x16xf32, #tpu.memory_space<vmem>> -> memref<128x16xf32, #tpu.memory_space<vmem>>
      %dma_start3A_152 = arith.constant 0 : i32
      %dma_start3A_153 = tpu.memref_slice %arg7[%add3A_146, %dma_start3A_152] : memref<80x128xi32, #tpu.memory_space<vmem>> -> memref<1x128xi32, #tpu.memory_space<vmem>>
      %dma_start3A_154 = tpu.memref_squeeze %dma_start3A_153 : memref<1x128xi32, #tpu.memory_space<vmem>> -> memref<128xi32, #tpu.memory_space<vmem>>
      %dma_start3A_155 = arith.constant 0 : i32
      %dma_start3A_156 = arith.constant 0 : i32
      %dma_start3A_157 = tpu.memref_slice %arg10[%dma_start3A_155, %dma_start3A_156] : memref<10240x16xf32, #tpu.memory_space<vmem_shared>> -> memref<10240x16xf32, #tpu.memory_space<vmem_shared>>
      tpu.enqueue_indirect_dma source(%dma_start3A_151 : memref<128x16xf32, #tpu.memory_space<vmem>>) target(%dma_start3A_157 : memref<10240x16xf32, #tpu.memory_space<vmem_shared>>) offsets(%dma_start3A_154 : memref<128xi32, #tpu.memory_space<vmem>>) semaphore(%arg12 : memref<!tpu.dma_semaphore, #tpu.memory_space<semaphore_mem>>) {add = true}
      %add3A_158 = arith.constant 3 : i32
      %add3A_159 = arith.addi %mul3A_80, %add3A_158 : i32
      %dma_wait3A_160 = arith.constant 3 : i32
      %dma_wait3A_161 = arith.constant 0 : i32
      %dma_wait3A_162 = arith.constant 0 : i32
      %dma_wait3A_163 = tpu.memref_slice %arg8[%dma_wait3A_160, %dma_wait3A_161, %dma_wait3A_162] : memref<4x128x16xf32, #tpu.memory_space<vmem>> -> memref<1x128x16xf32, #tpu.memory_space<vmem>>
      %dma_wait3A_164 = tpu.memref_squeeze %dma_wait3A_163 : memref<1x128x16xf32, #tpu.memory_space<vmem>> -> memref<128x16xf32, #tpu.memory_space<vmem>>
      %dma_wait3A_165 = arith.constant 0 : i32
      %dma_wait3A_166 = tpu.memref_slice %arg6[%add3A_159, %dma_wait3A_165] : memref<80x128xi32, #tpu.memory_space<vmem>> -> memref<1x128xi32, #tpu.memory_space<vmem>>
      %dma_wait3A_167 = tpu.memref_squeeze %dma_wait3A_166 : memref<1x128xi32, #tpu.memory_space<vmem>> -> memref<128xi32, #tpu.memory_space<vmem>>
      %dma_wait3A_168 = arith.constant 0 : i32
      %dma_wait3A_169 = arith.constant 0 : i32
      %dma_wait3A_170 = tpu.memref_slice %arg9[%dma_wait3A_168, %dma_wait3A_169] : memref<10240x16xf32, #tpu.memory_space<vmem_shared>> -> memref<10240x16xf32, #tpu.memory_space<vmem_shared>>
      tpu.wait_indirect_dma semaphore(%arg11 : memref<!tpu.dma_semaphore, #tpu.memory_space<semaphore_mem>>) src(%dma_wait3A_170 : memref<10240x16xf32, #tpu.memory_space<vmem_shared>>) dst(%dma_wait3A_164 : memref<128x16xf32, #tpu.memory_space<vmem>>)
      %add3A_171 = arith.constant 3 : i32
      %add3A_172 = arith.addi %mul3A_80, %add3A_171 : i32
      %dma_start3A_173 = arith.constant 3 : i32
      %dma_start3A_174 = arith.constant 0 : i32
      %dma_start3A_175 = arith.constant 0 : i32
      %dma_start3A_176 = tpu.memref_slice %arg8[%dma_start3A_173, %dma_start3A_174, %dma_start3A_175] : memref<4x128x16xf32, #tpu.memory_space<vmem>> -> memref<1x128x16xf32, #tpu.memory_space<vmem>>
      %dma_start3A_177 = tpu.memref_squeeze %dma_start3A_176 : memref<1x128x16xf32, #tpu.memory_space<vmem>> -> memref<128x16xf32, #tpu.memory_space<vmem>>
      %dma_start3A_178 = arith.constant 0 : i32
      %dma_start3A_179 = tpu.memref_slice %arg7[%add3A_172, %dma_start3A_178] : memref<80x128xi32, #tpu.memory_space<vmem>> -> memref<1x128xi32, #tpu.memory_space<vmem>>
      %dma_start3A_180 = tpu.memref_squeeze %dma_start3A_179 : memref<1x128xi32, #tpu.memory_space<vmem>> -> memref<128xi32, #tpu.memory_space<vmem>>
      %dma_start3A_181 = arith.constant 0 : i32
      %dma_start3A_182 = arith.constant 0 : i32
      %dma_start3A_183 = tpu.memref_slice %arg10[%dma_start3A_181, %dma_start3A_182] : memref<10240x16xf32, #tpu.memory_space<vmem_shared>> -> memref<10240x16xf32, #tpu.memory_space<vmem_shared>>
      tpu.enqueue_indirect_dma source(%dma_start3A_177 : memref<128x16xf32, #tpu.memory_space<vmem>>) target(%dma_start3A_183 : memref<10240x16xf32, #tpu.memory_space<vmem_shared>>) offsets(%dma_start3A_180 : memref<128xi32, #tpu.memory_space<vmem>>) semaphore(%arg12 : memref<!tpu.dma_semaphore, #tpu.memory_space<semaphore_mem>>) {add = true}
      %add3A_184 = arith.constant 0 : i32
      %add3A_185 = arith.addi %mul3A_80, %add3A_184 : i32
      %dma_wait3A_186 = arith.constant 0 : i32
      %dma_wait3A_187 = arith.constant 0 : i32
      %dma_wait3A_188 = arith.constant 0 : i32
      %dma_wait3A_189 = tpu.memref_slice %arg8[%dma_wait3A_186, %dma_wait3A_187, %dma_wait3A_188] : memref<4x128x16xf32, #tpu.memory_space<vmem>> -> memref<1x128x16xf32, #tpu.memory_space<vmem>>
      %dma_wait3A_190 = tpu.memref_squeeze %dma_wait3A_189 : memref<1x128x16xf32, #tpu.memory_space<vmem>> -> memref<128x16xf32, #tpu.memory_space<vmem>>
      %dma_wait3A_191 = arith.constant 0 : i32
      %dma_wait3A_192 = tpu.memref_slice %arg7[%add3A_185, %dma_wait3A_191] : memref<80x128xi32, #tpu.memory_space<vmem>> -> memref<1x128xi32, #tpu.memory_space<vmem>>
      %dma_wait3A_193 = tpu.memref_squeeze %dma_wait3A_192 : memref<1x128xi32, #tpu.memory_space<vmem>> -> memref<128xi32, #tpu.memory_space<vmem>>
      %dma_wait3A_194 = arith.constant 0 : i32
      %dma_wait3A_195 = arith.constant 0 : i32
      %dma_wait3A_196 = tpu.memref_slice %arg10[%dma_wait3A_194, %dma_wait3A_195] : memref<10240x16xf32, #tpu.memory_space<vmem_shared>> -> memref<10240x16xf32, #tpu.memory_space<vmem_shared>>
      tpu.wait_indirect_dma semaphore(%arg12 : memref<!tpu.dma_semaphore, #tpu.memory_space<semaphore_mem>>) src(%dma_wait3A_190 : memref<128x16xf32, #tpu.memory_space<vmem>>) dst(%dma_wait3A_196 : memref<10240x16xf32, #tpu.memory_space<vmem_shared>>)
      %add3A_197 = arith.constant 0 : i32
      %add3A_198 = arith.addi %mul3A_80, %add3A_197 : i32
      %add3A_199 = arith.constant 4 : i32
      %add3A_200 = arith.addi %add3A_198, %add3A_199 : i32
      %lt3A = arith.constant 80 : i32
      %lt3A_201 = arith.cmpi slt, %add3A_200, %lt3A : i32
      %convert_element_type3A = arith.extui %lt3A_201 : i1 to i32
      %cond3A = arith.constant 0 : i32
      %cond3A_202 = arith.cmpi ne, %convert_element_type3A, %cond3A : i32
      scf.if %cond3A_202 {
        %add3A_269 = arith.constant 0 : i32
        %add3A_270 = arith.addi %mul3A_80, %add3A_269 : i32
        %add3A_271 = arith.constant 4 : i32
        %add3A_272 = arith.addi %add3A_270, %add3A_271 : i32
        %dma_start3A_273 = arith.constant 0 : i32
        %dma_start3A_274 = arith.constant 0 : i32
        %dma_start3A_275 = arith.constant 0 : i32
        %dma_start3A_276 = tpu.memref_slice %arg8[%dma_start3A_273, %dma_start3A_274, %dma_start3A_275] : memref<4x128x16xf32, #tpu.memory_space<vmem>> -> memref<1x128x16xf32, #tpu.memory_space<vmem>>
        %dma_start3A_277 = tpu.memref_squeeze %dma_start3A_276 : memref<1x128x16xf32, #tpu.memory_space<vmem>> -> memref<128x16xf32, #tpu.memory_space<vmem>>
        %dma_start3A_278 = arith.constant 0 : i32
        %dma_start3A_279 = tpu.memref_slice %arg6[%add3A_272, %dma_start3A_278] : memref<80x128xi32, #tpu.memory_space<vmem>> -> memref<1x128xi32, #tpu.memory_space<vmem>>
        %dma_start3A_280 = tpu.memref_squeeze %dma_start3A_279 : memref<1x128xi32, #tpu.memory_space<vmem>> -> memref<128xi32, #tpu.memory_space<vmem>>
        %dma_start3A_281 = arith.constant 0 : i32
        %dma_start3A_282 = arith.constant 0 : i32
        %dma_start3A_283 = tpu.memref_slice %arg9[%dma_start3A_281, %dma_start3A_282] : memref<10240x16xf32, #tpu.memory_space<vmem_shared>> -> memref<10240x16xf32, #tpu.memory_space<vmem_shared>>
        tpu.enqueue_indirect_dma source(%dma_start3A_283 : memref<10240x16xf32, #tpu.memory_space<vmem_shared>>) target(%dma_start3A_277 : memref<128x16xf32, #tpu.memory_space<vmem>>) offsets(%dma_start3A_280 : memref<128xi32, #tpu.memory_space<vmem>>) semaphore(%arg11 : memref<!tpu.dma_semaphore, #tpu.memory_space<semaphore_mem>>)
      } else {
      }
      %add3A_203 = arith.constant 1 : i32
      %add3A_204 = arith.addi %mul3A_80, %add3A_203 : i32
      %dma_wait3A_205 = arith.constant 1 : i32
      %dma_wait3A_206 = arith.constant 0 : i32
      %dma_wait3A_207 = arith.constant 0 : i32
      %dma_wait3A_208 = tpu.memref_slice %arg8[%dma_wait3A_205, %dma_wait3A_206, %dma_wait3A_207] : memref<4x128x16xf32, #tpu.memory_space<vmem>> -> memref<1x128x16xf32, #tpu.memory_space<vmem>>
      %dma_wait3A_209 = tpu.memref_squeeze %dma_wait3A_208 : memref<1x128x16xf32, #tpu.memory_space<vmem>> -> memref<128x16xf32, #tpu.memory_space<vmem>>
      %dma_wait3A_210 = arith.constant 0 : i32
      %dma_wait3A_211 = tpu.memref_slice %arg7[%add3A_204, %dma_wait3A_210] : memref<80x128xi32, #tpu.memory_space<vmem>> -> memref<1x128xi32, #tpu.memory_space<vmem>>
      %dma_wait3A_212 = tpu.memref_squeeze %dma_wait3A_211 : memref<1x128xi32, #tpu.memory_space<vmem>> -> memref<128xi32, #tpu.memory_space<vmem>>
      %dma_wait3A_213 = arith.constant 0 : i32
      %dma_wait3A_214 = arith.constant 0 : i32
      %dma_wait3A_215 = tpu.memref_slice %arg10[%dma_wait3A_213, %dma_wait3A_214] : memref<10240x16xf32, #tpu.memory_space<vmem_shared>> -> memref<10240x16xf32, #tpu.memory_space<vmem_shared>>
      tpu.wait_indirect_dma semaphore(%arg12 : memref<!tpu.dma_semaphore, #tpu.memory_space<semaphore_mem>>) src(%dma_wait3A_209 : memref<128x16xf32, #tpu.memory_space<vmem>>) dst(%dma_wait3A_215 : memref<10240x16xf32, #tpu.memory_space<vmem_shared>>)
      %add3A_216 = arith.constant 1 : i32
      %add3A_217 = arith.addi %mul3A_80, %add3A_216 : i32
      %add3A_218 = arith.constant 4 : i32
      %add3A_219 = arith.addi %add3A_217, %add3A_218 : i32
      %lt3A_220 = arith.constant 80 : i32
      %lt3A_221 = arith.cmpi slt, %add3A_219, %lt3A_220 : i32
      %convert_element_type3A_222 = arith.extui %lt3A_221 : i1 to i32
      %cond3A_223 = arith.constant 0 : i32
      %cond3A_224 = arith.cmpi ne, %convert_element_type3A_222, %cond3A_223 : i32
      scf.if %cond3A_224 {
        %add3A_269 = arith.constant 1 : i32
        %add3A_270 = arith.addi %mul3A_80, %add3A_269 : i32
        %add3A_271 = arith.constant 4 : i32
        %add3A_272 = arith.addi %add3A_270, %add3A_271 : i32
        %dma_start3A_273 = arith.constant 1 : i32
        %dma_start3A_274 = arith.constant 0 : i32
        %dma_start3A_275 = arith.constant 0 : i32
        %dma_start3A_276 = tpu.memref_slice %arg8[%dma_start3A_273, %dma_start3A_274, %dma_start3A_275] : memref<4x128x16xf32, #tpu.memory_space<vmem>> -> memref<1x128x16xf32, #tpu.memory_space<vmem>>
        %dma_start3A_277 = tpu.memref_squeeze %dma_start3A_276 : memref<1x128x16xf32, #tpu.memory_space<vmem>> -> memref<128x16xf32, #tpu.memory_space<vmem>>
        %dma_start3A_278 = arith.constant 0 : i32
        %dma_start3A_279 = tpu.memref_slice %arg6[%add3A_272, %dma_start3A_278] : memref<80x128xi32, #tpu.memory_space<vmem>> -> memref<1x128xi32, #tpu.memory_space<vmem>>
        %dma_start3A_280 = tpu.memref_squeeze %dma_start3A_279 : memref<1x128xi32, #tpu.memory_space<vmem>> -> memref<128xi32, #tpu.memory_space<vmem>>
        %dma_start3A_281 = arith.constant 0 : i32
        %dma_start3A_282 = arith.constant 0 : i32
        %dma_start3A_283 = tpu.memref_slice %arg9[%dma_start3A_281, %dma_start3A_282] : memref<10240x16xf32, #tpu.memory_space<vmem_shared>> -> memref<10240x16xf32, #tpu.memory_space<vmem_shared>>
        tpu.enqueue_indirect_dma source(%dma_start3A_283 : memref<10240x16xf32, #tpu.memory_space<vmem_shared>>) target(%dma_start3A_277 : memref<128x16xf32, #tpu.memory_space<vmem>>) offsets(%dma_start3A_280 : memref<128xi32, #tpu.memory_space<vmem>>) semaphore(%arg11 : memref<!tpu.dma_semaphore, #tpu.memory_space<semaphore_mem>>)
      } else {
      }
      %add3A_225 = arith.constant 2 : i32
      %add3A_226 = arith.addi %mul3A_80, %add3A_225 : i32
      %dma_wait3A_227 = arith.constant 2 : i32
      %dma_wait3A_228 = arith.constant 0 : i32
      %dma_wait3A_229 = arith.constant 0 : i32
      %dma_wait3A_230 = tpu.memref_slice %arg8[%dma_wait3A_227, %dma_wait3A_228, %dma_wait3A_229] : memref<4x128x16xf32, #tpu.memory_space<vmem>> -> memref<1x128x16xf32, #tpu.memory_space<vmem>>
      %dma_wait3A_231 = tpu.memref_squeeze %dma_wait3A_230 : memref<1x128x16xf32, #tpu.memory_space<vmem>> -> memref<128x16xf32, #tpu.memory_space<vmem>>
      %dma_wait3A_232 = arith.constant 0 : i32
      %dma_wait3A_233 = tpu.memref_slice %arg7[%add3A_226, %dma_wait3A_232] : memref<80x128xi32, #tpu.memory_space<vmem>> -> memref<1x128xi32, #tpu.memory_space<vmem>>
      %dma_wait3A_234 = tpu.memref_squeeze %dma_wait3A_233 : memref<1x128xi32, #tpu.memory_space<vmem>> -> memref<128xi32, #tpu.memory_space<vmem>>
      %dma_wait3A_235 = arith.constant 0 : i32
      %dma_wait3A_236 = arith.constant 0 : i32
      %dma_wait3A_237 = tpu.memref_slice %arg10[%dma_wait3A_235, %dma_wait3A_236] : memref<10240x16xf32, #tpu.memory_space<vmem_shared>> -> memref<10240x16xf32, #tpu.memory_space<vmem_shared>>
      tpu.wait_indirect_dma semaphore(%arg12 : memref<!tpu.dma_semaphore, #tpu.memory_space<semaphore_mem>>) src(%dma_wait3A_231 : memref<128x16xf32, #tpu.memory_space<vmem>>) dst(%dma_wait3A_237 : memref<10240x16xf32, #tpu.memory_space<vmem_shared>>)
      %add3A_238 = arith.constant 2 : i32
      %add3A_239 = arith.addi %mul3A_80, %add3A_238 : i32
      %add3A_240 = arith.constant 4 : i32
      %add3A_241 = arith.addi %add3A_239, %add3A_240 : i32
      %lt3A_242 = arith.constant 80 : i32
      %lt3A_243 = arith.cmpi slt, %add3A_241, %lt3A_242 : i32
      %convert_element_type3A_244 = arith.extui %lt3A_243 : i1 to i32
      %cond3A_245 = arith.constant 0 : i32
      %cond3A_246 = arith.cmpi ne, %convert_element_type3A_244, %cond3A_245 : i32
      scf.if %cond3A_246 {
        %add3A_269 = arith.constant 2 : i32
        %add3A_270 = arith.addi %mul3A_80, %add3A_269 : i32
        %add3A_271 = arith.constant 4 : i32
        %add3A_272 = arith.addi %add3A_270, %add3A_271 : i32
        %dma_start3A_273 = arith.constant 2 : i32
        %dma_start3A_274 = arith.constant 0 : i32
        %dma_start3A_275 = arith.constant 0 : i32
        %dma_start3A_276 = tpu.memref_slice %arg8[%dma_start3A_273, %dma_start3A_274, %dma_start3A_275] : memref<4x128x16xf32, #tpu.memory_space<vmem>> -> memref<1x128x16xf32, #tpu.memory_space<vmem>>
        %dma_start3A_277 = tpu.memref_squeeze %dma_start3A_276 : memref<1x128x16xf32, #tpu.memory_space<vmem>> -> memref<128x16xf32, #tpu.memory_space<vmem>>
        %dma_start3A_278 = arith.constant 0 : i32
        %dma_start3A_279 = tpu.memref_slice %arg6[%add3A_272, %dma_start3A_278] : memref<80x128xi32, #tpu.memory_space<vmem>> -> memref<1x128xi32, #tpu.memory_space<vmem>>
        %dma_start3A_280 = tpu.memref_squeeze %dma_start3A_279 : memref<1x128xi32, #tpu.memory_space<vmem>> -> memref<128xi32, #tpu.memory_space<vmem>>
        %dma_start3A_281 = arith.constant 0 : i32
        %dma_start3A_282 = arith.constant 0 : i32
        %dma_start3A_283 = tpu.memref_slice %arg9[%dma_start3A_281, %dma_start3A_282] : memref<10240x16xf32, #tpu.memory_space<vmem_shared>> -> memref<10240x16xf32, #tpu.memory_space<vmem_shared>>
        tpu.enqueue_indirect_dma source(%dma_start3A_283 : memref<10240x16xf32, #tpu.memory_space<vmem_shared>>) target(%dma_start3A_277 : memref<128x16xf32, #tpu.memory_space<vmem>>) offsets(%dma_start3A_280 : memref<128xi32, #tpu.memory_space<vmem>>) semaphore(%arg11 : memref<!tpu.dma_semaphore, #tpu.memory_space<semaphore_mem>>)
      } else {
      }
      %add3A_247 = arith.constant 3 : i32
      %add3A_248 = arith.addi %mul3A_80, %add3A_247 : i32
      %dma_wait3A_249 = arith.constant 3 : i32
      %dma_wait3A_250 = arith.constant 0 : i32
      %dma_wait3A_251 = arith.constant 0 : i32
      %dma_wait3A_252 = tpu.memref_slice %arg8[%dma_wait3A_249, %dma_wait3A_250, %dma_wait3A_251] : memref<4x128x16xf32, #tpu.memory_space<vmem>> -> memref<1x128x16xf32, #tpu.memory_space<vmem>>
      %dma_wait3A_253 = tpu.memref_squeeze %dma_wait3A_252 : memref<1x128x16xf32, #tpu.memory_space<vmem>> -> memref<128x16xf32, #tpu.memory_space<vmem>>
      %dma_wait3A_254 = arith.constant 0 : i32
      %dma_wait3A_255 = tpu.memref_slice %arg7[%add3A_248, %dma_wait3A_254] : memref<80x128xi32, #tpu.memory_space<vmem>> -> memref<1x128xi32, #tpu.memory_space<vmem>>
      %dma_wait3A_256 = tpu.memref_squeeze %dma_wait3A_255 : memref<1x128xi32, #tpu.memory_space<vmem>> -> memref<128xi32, #tpu.memory_space<vmem>>
      %dma_wait3A_257 = arith.constant 0 : i32
      %dma_wait3A_258 = arith.constant 0 : i32
      %dma_wait3A_259 = tpu.memref_slice %arg10[%dma_wait3A_257, %dma_wait3A_258] : memref<10240x16xf32, #tpu.memory_space<vmem_shared>> -> memref<10240x16xf32, #tpu.memory_space<vmem_shared>>
      tpu.wait_indirect_dma semaphore(%arg12 : memref<!tpu.dma_semaphore, #tpu.memory_space<semaphore_mem>>) src(%dma_wait3A_253 : memref<128x16xf32, #tpu.memory_space<vmem>>) dst(%dma_wait3A_259 : memref<10240x16xf32, #tpu.memory_space<vmem_shared>>)
      %add3A_260 = arith.constant 3 : i32
      %add3A_261 = arith.addi %mul3A_80, %add3A_260 : i32
      %add3A_262 = arith.constant 4 : i32
      %add3A_263 = arith.addi %add3A_261, %add3A_262 : i32
      %lt3A_264 = arith.constant 80 : i32
      %lt3A_265 = arith.cmpi slt, %add3A_263, %lt3A_264 : i32
      %convert_element_type3A_266 = arith.extui %lt3A_265 : i1 to i32
      %cond3A_267 = arith.constant 0 : i32
      %cond3A_268 = arith.cmpi ne, %convert_element_type3A_266, %cond3A_267 : i32
      scf.if %cond3A_268 {
        %add3A_269 = arith.constant 3 : i32
        %add3A_270 = arith.addi %mul3A_80, %add3A_269 : i32
        %add3A_271 = arith.constant 4 : i32
        %add3A_272 = arith.addi %add3A_270, %add3A_271 : i32
        %dma_start3A_273 = arith.constant 3 : i32
        %dma_start3A_274 = arith.constant 0 : i32
        %dma_start3A_275 = arith.constant 0 : i32
        %dma_start3A_276 = tpu.memref_slice %arg8[%dma_start3A_273, %dma_start3A_274, %dma_start3A_275] : memref<4x128x16xf32, #tpu.memory_space<vmem>> -> memref<1x128x16xf32, #tpu.memory_space<vmem>>
        %dma_start3A_277 = tpu.memref_squeeze %dma_start3A_276 : memref<1x128x16xf32, #tpu.memory_space<vmem>> -> memref<128x16xf32, #tpu.memory_space<vmem>>
        %dma_start3A_278 = arith.constant 0 : i32
        %dma_start3A_279 = tpu.memref_slice %arg6[%add3A_272, %dma_start3A_278] : memref<80x128xi32, #tpu.memory_space<vmem>> -> memref<1x128xi32, #tpu.memory_space<vmem>>
        %dma_start3A_280 = tpu.memref_squeeze %dma_start3A_279 : memref<1x128xi32, #tpu.memory_space<vmem>> -> memref<128xi32, #tpu.memory_space<vmem>>
        %dma_start3A_281 = arith.constant 0 : i32
        %dma_start3A_282 = arith.constant 0 : i32
        %dma_start3A_283 = tpu.memref_slice %arg9[%dma_start3A_281, %dma_start3A_282] : memref<10240x16xf32, #tpu.memory_space<vmem_shared>> -> memref<10240x16xf32, #tpu.memory_space<vmem_shared>>
        tpu.enqueue_indirect_dma source(%dma_start3A_283 : memref<10240x16xf32, #tpu.memory_space<vmem_shared>>) target(%dma_start3A_277 : memref<128x16xf32, #tpu.memory_space<vmem>>) offsets(%dma_start3A_280 : memref<128xi32, #tpu.memory_space<vmem>>) semaphore(%arg11 : memref<!tpu.dma_semaphore, #tpu.memory_space<semaphore_mem>>)
      } else {
      }
    }
    %scan3A_72 = arith.constant 20 : i32
    %barrier3A_73 = arith.constant 0 : index
    tpu.barrier barrier_id(%barrier3A_73)
    %mul3A_74 = arith.constant 640 : i32
    %mul3A_75 = arith.muli %arg1, %mul3A_74 : i32
    %mul3A_76 = arith.constant 640 : i32
    %mul3A_77 = arith.muli %arg1, %mul3A_76 : i32
    "tpu.region"() ({
      %run_scoped3A = tpu.sem_alloc : memref<!tpu.dma_semaphore, #tpu.memory_space<semaphore_mem>>
      %dma_start3A_78 = arith.constant 0 : i32
      %dma_start3A_79 = tpu.memref_slice %arg5[%arg0, %mul3A_77, %dma_start3A_78] : memref<2x10240x16xf32, #tpu.memory_space<hbm>> -> memref<1x640x16xf32, #tpu.memory_space<hbm>>
      %dma_start3A_80 = tpu.memref_squeeze %dma_start3A_79 : memref<1x640x16xf32, #tpu.memory_space<hbm>> -> memref<640x16xf32, #tpu.memory_space<hbm>>
      %dma_start3A_81 = arith.constant 0 : i32
      %dma_start3A_82 = tpu.memref_slice %arg10[%mul3A_75, %dma_start3A_81] : memref<10240x16xf32, #tpu.memory_space<vmem_shared>> -> memref<640x16xf32, #tpu.memory_space<vmem_shared>>
      tpu.enqueue_dma source(%dma_start3A_82 : memref<640x16xf32, #tpu.memory_space<vmem_shared>>) target(%dma_start3A_80 : memref<640x16xf32, #tpu.memory_space<hbm>>) target_semaphore(%run_scoped3A : memref<!tpu.dma_semaphore, #tpu.memory_space<semaphore_mem>>)
      %dma_wait3A = arith.constant 0 : i32
      %dma_wait3A_83 = tpu.memref_slice %arg5[%arg0, %mul3A_77, %dma_wait3A] : memref<2x10240x16xf32, #tpu.memory_space<hbm>> -> memref<1x640x16xf32, #tpu.memory_space<hbm>>
      %dma_wait3A_84 = tpu.memref_squeeze %dma_wait3A_83 : memref<1x640x16xf32, #tpu.memory_space<hbm>> -> memref<640x16xf32, #tpu.memory_space<hbm>>
      %dma_wait3A_85 = arith.constant 0 : i32
      %dma_wait3A_86 = tpu.memref_slice %arg10[%mul3A_75, %dma_wait3A_85] : memref<10240x16xf32, #tpu.memory_space<vmem_shared>> -> memref<640x16xf32, #tpu.memory_space<vmem_shared>>
      tpu.wait_dma2 semaphore(%run_scoped3A : memref<!tpu.dma_semaphore, #tpu.memory_space<semaphore_mem>>) src(%dma_wait3A_86 : memref<640x16xf32, #tpu.memory_space<vmem_shared>>) dst(%dma_wait3A_84 : memref<640x16xf32, #tpu.memory_space<hbm>>)
      tpu.yield
    }) : () -> ()
    return
  }
}

module attributes {stable_mosaic.version = 14 : i64} {
  func.func @_tc1_body(%arg0: i32, %arg1: memref<640x1xf32, #tpu.memory_space<vmem>>, %arg2: memref<640x1xf32, #tpu.memory_space<vmem>>, %arg3: memref<640x128xf32, #tpu.memory_space<vmem>>, %arg4: memref<128x16xf32, #tpu.memory_space<vmem>>, %arg5: memref<640x16xf32, #tpu.memory_space<vmem>>, %arg6: memref<640x1xf32, #tpu.memory_space<vmem>>) attributes {dimension_semantics = [#tpu.dimension_semantics<arbitrary>], iteration_bounds = array<i64: 16>, scalar_prefetch = 0 : i64, scratch_operands = 0 : i64, tpu.core_type = #tpu.core_type<tc>, window_params = [{transform_indices = @transform_0, window_bounds = array<i64: 640, 1>}, {transform_indices = @transform_1, window_bounds = array<i64: 640, 1>}, {transform_indices = @transform_2, window_bounds = array<i64: 640, 128>}, {pipeline_mode = #tpu.pipeline_mode<synchronous>, transform_indices = @transform_3, window_bounds = array<i64: 128, 16>}, {transform_indices = @transform_4, window_bounds = array<i64: 640, 16>}, {transform_indices = @transform_5, window_bounds = array<i64: 640, 1>}]} {
    %get3A = arith.constant 0 : index
    %get3A_0 = arith.constant 0 : index
    %get3A_1 = vector.load %arg1[%get3A, %get3A_0] : memref<640x1xf32, #tpu.memory_space<vmem>>, vector<640x1xf32>
    %get3A_2 = arith.constant 0 : index
    %get3A_3 = arith.constant 0 : index
    %get3A_4 = vector.load %arg2[%get3A_2, %get3A_3] : memref<640x1xf32, #tpu.memory_space<vmem>>, vector<640x1xf32>
    %add3A = arith.addf %get3A_1, %get3A_4 : vector<640x1xf32>
    %add3A_5 = arith.constant 1.000000e+00 : f32
    %add3A_6 = vector.broadcast %add3A_5 : f32 to vector<640x1xf32>
    %add3A_7 = arith.addf %add3A, %add3A_6 : vector<640x1xf32>
    %rsqrt3A = math.rsqrt %add3A_7 : vector<640x1xf32>
    %get3A_8 = arith.constant 0 : index
    %get3A_9 = arith.constant 0 : index
    %get3A_10 = vector.load %arg3[%get3A_8, %get3A_9] : memref<640x128xf32, #tpu.memory_space<vmem>>, vector<640x128xf32>
    %get3A_11 = arith.constant 0 : index
    %get3A_12 = arith.constant 0 : index
    %get3A_13 = vector.load %arg4[%get3A_11, %get3A_12] : memref<128x16xf32, #tpu.memory_space<vmem>>, vector<128x16xf32>
    %dot_general3A = arith.constant dense<0.000000e+00> : vector<640x16xf32>
    %dot_general3A_14 = tpu.matmul %get3A_10, %get3A_13, %dot_general3A {dimension_numbers = #tpu.dot_dimension_numbers<[1], [0], [0], [1], [0, 0, 1, 1], [], []>, transpose_lhs_hint = false} : vector<640x128xf32>, vector<128x16xf32>, vector<640x16xf32> -> vector<640x16xf32>
    %mul3A = vector.broadcast %rsqrt3A : vector<640x1xf32> to vector<640x16xf32>
    %mul3A_15 = arith.mulf %mul3A, %dot_general3A_14 : vector<640x16xf32>
    %swap3A = arith.constant 0 : index
    %swap3A_16 = arith.constant 0 : index
    %swap3A_17 = vector.load %arg5[%swap3A, %swap3A_16] : memref<640x16xf32, #tpu.memory_space<vmem>>, vector<640x16xf32>
    tpu.vector_store %arg5[%swap3A, %swap3A_16], %mul3A_15 {strides = array<i32>} : memref<640x16xf32, #tpu.memory_space<vmem>>, vector<640x16xf32>,
    %swap3A_18 = arith.constant 0 : index
    %swap3A_19 = arith.constant 0 : index
    %swap3A_20 = vector.load %arg6[%swap3A_18, %swap3A_19] : memref<640x1xf32, #tpu.memory_space<vmem>>, vector<640x1xf32>
    tpu.vector_store %arg6[%swap3A_18, %swap3A_19], %rsqrt3A {strides = array<i32>} : memref<640x1xf32, #tpu.memory_space<vmem>>, vector<640x1xf32>,
    return
  }
  func.func @transform_0(%arg0: i32) -> (i32, i32) {
    %c0_i32 = arith.constant 0 : i32
    %c0_i32_0 = arith.constant 0 : i32
    return %arg0, %c0_i32 : i32, i32
  }
  func.func @transform_1(%arg0: i32) -> (i32, i32) {
    %c0_i32 = arith.constant 0 : i32
    %c0_i32_0 = arith.constant 0 : i32
    return %arg0, %c0_i32 : i32, i32
  }
  func.func @transform_2(%arg0: i32) -> (i32, i32) {
    %c0_i32 = arith.constant 0 : i32
    %c0_i32_0 = arith.constant 0 : i32
    return %arg0, %c0_i32 : i32, i32
  }
  func.func @transform_3(%arg0: i32) -> (i32, i32) {
    %c0_i32 = arith.constant 0 : i32
    %c0_i32_0 = arith.constant 0 : i32
    %c0_i32_1 = arith.constant 0 : i32
    return %c0_i32, %c0_i32_0 : i32, i32
  }
  func.func @transform_4(%arg0: i32) -> (i32, i32) {
    %c0_i32 = arith.constant 0 : i32
    %c0_i32_0 = arith.constant 0 : i32
    return %arg0, %c0_i32 : i32, i32
  }
  func.func @transform_5(%arg0: i32) -> (i32, i32) {
    %c0_i32 = arith.constant 0 : i32
    %c0_i32_0 = arith.constant 0 : i32
    return %arg0, %c0_i32 : i32, i32
  }
}

module attributes {stable_mosaic.version = 14 : i64} {
  func.func @_tc2_body(%arg0: i32, %arg1: memref<640x16xf32, #tpu.memory_space<vmem>>, %arg2: memref<640x16xf32, #tpu.memory_space<vmem>>, %arg3: memref<640x16xf32, #tpu.memory_space<vmem>>, %arg4: memref<640x1xf32, #tpu.memory_space<vmem>>, %arg5: memref<1x16xf32, #tpu.memory_space<vmem>>, %arg6: memref<16x16xf32, #tpu.memory_space<vmem>>, %arg7: memref<640x16xf32, #tpu.memory_space<vmem>>) attributes {dimension_semantics = [#tpu.dimension_semantics<arbitrary>], iteration_bounds = array<i64: 16>, scalar_prefetch = 0 : i64, scratch_operands = 0 : i64, tpu.core_type = #tpu.core_type<tc>, window_params = [{transform_indices = @transform_0, window_bounds = array<i64: 640, 16>}, {transform_indices = @transform_1, window_bounds = array<i64: 640, 16>}, {transform_indices = @transform_2, window_bounds = array<i64: 640, 16>}, {transform_indices = @transform_3, window_bounds = array<i64: 640, 1>}, {pipeline_mode = #tpu.pipeline_mode<synchronous>, transform_indices = @transform_4, window_bounds = array<i64: 1, 16>}, {pipeline_mode = #tpu.pipeline_mode<synchronous>, transform_indices = @transform_5, window_bounds = array<i64: 16, 16>}, {transform_indices = @transform_6, window_bounds = array<i64: 640, 16>}]} {
    %get3A = arith.constant 0 : index
    %get3A_0 = arith.constant 0 : index
    %get3A_1 = vector.load %arg4[%get3A, %get3A_0] : memref<640x1xf32, #tpu.memory_space<vmem>>, vector<640x1xf32>
    %get3A_2 = arith.constant 0 : index
    %get3A_3 = arith.constant 0 : index
    %get3A_4 = vector.load %arg1[%get3A_2, %get3A_3] : memref<640x16xf32, #tpu.memory_space<vmem>>, vector<640x16xf32>
    %get3A_5 = arith.constant 0 : index
    %get3A_6 = arith.constant 0 : index
    %get3A_7 = vector.load %arg2[%get3A_5, %get3A_6] : memref<640x16xf32, #tpu.memory_space<vmem>>, vector<640x16xf32>
    %add3A = arith.addf %get3A_4, %get3A_7 : vector<640x16xf32>
    %get3A_8 = arith.constant 0 : index
    %get3A_9 = arith.constant 0 : index
    %get3A_10 = vector.load %arg3[%get3A_8, %get3A_9] : memref<640x16xf32, #tpu.memory_space<vmem>>, vector<640x16xf32>
    %add3A_11 = arith.addf %add3A, %get3A_10 : vector<640x16xf32>
    %mul3A = vector.broadcast %get3A_1 : vector<640x1xf32> to vector<640x16xf32>
    %mul3A_12 = arith.mulf %add3A_11, %mul3A : vector<640x16xf32>
    %get3A_13 = arith.constant 0 : index
    %get3A_14 = arith.constant 0 : index
    %get3A_15 = vector.load %arg5[%get3A_13, %get3A_14] : memref<1x16xf32, #tpu.memory_space<vmem>>, vector<1x16xf32>
    %add3A_16 = vector.broadcast %get3A_15 : vector<1x16xf32> to vector<640x16xf32>
    %add3A_17 = arith.addf %mul3A_12, %add3A_16 : vector<640x16xf32>
    %max3A = arith.constant 0.000000e+00 : f32
    %max3A_18 = vector.broadcast %max3A : f32 to vector<640x16xf32>
    %max3A_19 = arith.maximumf %add3A_17, %max3A_18 : vector<640x16xf32>
    %get3A_20 = arith.constant 0 : index
    %get3A_21 = arith.constant 0 : index
    %get3A_22 = vector.load %arg6[%get3A_20, %get3A_21] : memref<16x16xf32, #tpu.memory_space<vmem>>, vector<16x16xf32>
    %dot_general3A = arith.constant dense<0.000000e+00> : vector<640x16xf32>
    %dot_general3A_23 = tpu.matmul %max3A_19, %get3A_22, %dot_general3A {dimension_numbers = #tpu.dot_dimension_numbers<[1], [0], [0], [1], [0, 0, 1, 1], [], []>, transpose_lhs_hint = false} : vector<640x16xf32>, vector<16x16xf32>, vector<640x16xf32> -> vector<640x16xf32>
    %mul3A_24 = vector.broadcast %get3A_1 : vector<640x1xf32> to vector<640x16xf32>
    %mul3A_25 = arith.mulf %mul3A_24, %dot_general3A_23 : vector<640x16xf32>
    %swap3A = arith.constant 0 : index
    %swap3A_26 = arith.constant 0 : index
    %swap3A_27 = vector.load %arg7[%swap3A, %swap3A_26] : memref<640x16xf32, #tpu.memory_space<vmem>>, vector<640x16xf32>
    tpu.vector_store %arg7[%swap3A, %swap3A_26], %mul3A_25 {strides = array<i32>} : memref<640x16xf32, #tpu.memory_space<vmem>>, vector<640x16xf32>,
    return
  }
  func.func @transform_0(%arg0: i32) -> (i32, i32) {
    %c0_i32 = arith.constant 0 : i32
    %c0_i32_0 = arith.constant 0 : i32
    return %arg0, %c0_i32 : i32, i32
  }
  func.func @transform_1(%arg0: i32) -> (i32, i32) {
    %c0_i32 = arith.constant 0 : i32
    %c0_i32_0 = arith.constant 0 : i32
    return %arg0, %c0_i32 : i32, i32
  }
  func.func @transform_2(%arg0: i32) -> (i32, i32) {
    %c0_i32 = arith.constant 0 : i32
    %c0_i32_0 = arith.constant 0 : i32
    return %arg0, %c0_i32 : i32, i32
  }
  func.func @transform_3(%arg0: i32) -> (i32, i32) {
    %c0_i32 = arith.constant 0 : i32
    %c0_i32_0 = arith.constant 0 : i32
    return %arg0, %c0_i32 : i32, i32
  }
  func.func @transform_4(%arg0: i32) -> (i32, i32) {
    %c0_i32 = arith.constant 0 : i32
    %c0_i32_0 = arith.constant 0 : i32
    %c0_i32_1 = arith.constant 0 : i32
    return %c0_i32, %c0_i32_0 : i32, i32
  }
  func.func @transform_5(%arg0: i32) -> (i32, i32) {
    %c0_i32 = arith.constant 0 : i32
    %c0_i32_0 = arith.constant 0 : i32
    %c0_i32_1 = arith.constant 0 : i32
    return %c0_i32, %c0_i32_0 : i32, i32
  }
  func.func @transform_6(%arg0: i32) -> (i32, i32) {
    %c0_i32 = arith.constant 0 : i32
    %c0_i32_0 = arith.constant 0 : i32
    return %arg0, %c0_i32 : i32, i32
  }
}

module attributes {stable_mosaic.version = 14 : i64} {
  func.func @_tc3_body(%arg0: i32, %arg1: memref<640x16xf32, #tpu.memory_space<vmem>>, %arg2: memref<640x16xf32, #tpu.memory_space<vmem>>, %arg3: memref<640x16xf32, #tpu.memory_space<vmem>>, %arg4: memref<640x1xf32, #tpu.memory_space<vmem>>, %arg5: memref<1x16xf32, #tpu.memory_space<vmem>>, %arg6: memref<640x16xf32, #tpu.memory_space<vmem>>) attributes {dimension_semantics = [#tpu.dimension_semantics<arbitrary>], iteration_bounds = array<i64: 16>, scalar_prefetch = 0 : i64, scratch_operands = 0 : i64, tpu.core_type = #tpu.core_type<tc>, window_params = [{transform_indices = @transform_0, window_bounds = array<i64: 640, 16>}, {transform_indices = @transform_1, window_bounds = array<i64: 640, 16>}, {transform_indices = @transform_2, window_bounds = array<i64: 640, 16>}, {transform_indices = @transform_3, window_bounds = array<i64: 640, 1>}, {pipeline_mode = #tpu.pipeline_mode<synchronous>, transform_indices = @transform_4, window_bounds = array<i64: 1, 16>}, {transform_indices = @transform_5, window_bounds = array<i64: 640, 16>}]} {
    %get3A = arith.constant 0 : index
    %get3A_0 = arith.constant 0 : index
    %get3A_1 = vector.load %arg1[%get3A, %get3A_0] : memref<640x16xf32, #tpu.memory_space<vmem>>, vector<640x16xf32>
    %get3A_2 = arith.constant 0 : index
    %get3A_3 = arith.constant 0 : index
    %get3A_4 = vector.load %arg2[%get3A_2, %get3A_3] : memref<640x16xf32, #tpu.memory_space<vmem>>, vector<640x16xf32>
    %add3A = arith.addf %get3A_1, %get3A_4 : vector<640x16xf32>
    %get3A_5 = arith.constant 0 : index
    %get3A_6 = arith.constant 0 : index
    %get3A_7 = vector.load %arg3[%get3A_5, %get3A_6] : memref<640x16xf32, #tpu.memory_space<vmem>>, vector<640x16xf32>
    %add3A_8 = arith.addf %add3A, %get3A_7 : vector<640x16xf32>
    %get3A_9 = arith.constant 0 : index
    %get3A_10 = arith.constant 0 : index
    %get3A_11 = vector.load %arg4[%get3A_9, %get3A_10] : memref<640x1xf32, #tpu.memory_space<vmem>>, vector<640x1xf32>
    %mul3A = vector.broadcast %get3A_11 : vector<640x1xf32> to vector<640x16xf32>
    %mul3A_12 = arith.mulf %add3A_8, %mul3A : vector<640x16xf32>
    %get3A_13 = arith.constant 0 : index
    %get3A_14 = arith.constant 0 : index
    %get3A_15 = vector.load %arg5[%get3A_13, %get3A_14] : memref<1x16xf32, #tpu.memory_space<vmem>>, vector<1x16xf32>
    %add3A_16 = vector.broadcast %get3A_15 : vector<1x16xf32> to vector<640x16xf32>
    %add3A_17 = arith.addf %mul3A_12, %add3A_16 : vector<640x16xf32>
    %reduce_max3A = arith.constant dense<0xFF800000> : vector<640xf32>
    %reduce_max3A_18 = vector.multi_reduction <maximumf>, %add3A_17, %reduce_max3A [1] : vector<640x16xf32> to vector<640xf32>
    %broadcast_in_dim3A = vector.shape_cast %reduce_max3A_18 : vector<640xf32> to vector<640x1xf32>
    %sub3A = vector.broadcast %broadcast_in_dim3A : vector<640x1xf32> to vector<640x16xf32>
    %sub3A_19 = arith.subf %add3A_17, %sub3A : vector<640x16xf32>
    %exp3A = math.exp %sub3A_19 : vector<640x16xf32>
    %reduce_sum3A = arith.constant dense<0.000000e+00> : vector<640xf32>
    %reduce_sum3A_20 = vector.multi_reduction <add>, %exp3A, %reduce_sum3A [1] : vector<640x16xf32> to vector<640xf32>
    %broadcast_in_dim3A_21 = vector.shape_cast %reduce_sum3A_20 : vector<640xf32> to vector<640x1xf32>
    %log3A = math.log %broadcast_in_dim3A_21 : vector<640x1xf32>
    %add3A_22 = arith.addf %log3A, %broadcast_in_dim3A : vector<640x1xf32>
    %sub3A_23 = vector.broadcast %add3A_22 : vector<640x1xf32> to vector<640x16xf32>
    %sub3A_24 = arith.subf %add3A_17, %sub3A_23 : vector<640x16xf32>
    %swap3A = arith.constant 0 : index
    %swap3A_25 = arith.constant 0 : index
    %swap3A_26 = vector.load %arg6[%swap3A, %swap3A_25] : memref<640x16xf32, #tpu.memory_space<vmem>>, vector<640x16xf32>
    tpu.vector_store %arg6[%swap3A, %swap3A_25], %sub3A_24 {strides = array<i32>} : memref<640x16xf32, #tpu.memory_space<vmem>>, vector<640x16xf32>,
    return
  }
  func.func @transform_0(%arg0: i32) -> (i32, i32) {
    %c0_i32 = arith.constant 0 : i32
    %c0_i32_0 = arith.constant 0 : i32
    return %arg0, %c0_i32 : i32, i32
  }
  func.func @transform_1(%arg0: i32) -> (i32, i32) {
    %c0_i32 = arith.constant 0 : i32
    %c0_i32_0 = arith.constant 0 : i32
    return %arg0, %c0_i32 : i32, i32
  }
  func.func @transform_2(%arg0: i32) -> (i32, i32) {
    %c0_i32 = arith.constant 0 : i32
    %c0_i32_0 = arith.constant 0 : i32
    return %arg0, %c0_i32 : i32, i32
  }
  func.func @transform_3(%arg0: i32) -> (i32, i32) {
    %c0_i32 = arith.constant 0 : i32
    %c0_i32_0 = arith.constant 0 : i32
    return %arg0, %c0_i32 : i32, i32
  }
  func.func @transform_4(%arg0: i32) -> (i32, i32) {
    %c0_i32 = arith.constant 0 : i32
    %c0_i32_0 = arith.constant 0 : i32
    %c0_i32_1 = arith.constant 0 : i32
    return %c0_i32, %c0_i32_0 : i32, i32
  }
  func.func @transform_5(%arg0: i32) -> (i32, i32) {
    %c0_i32 = arith.constant 0 : i32
    %c0_i32_0 = arith.constant 0 : i32
    return %arg0, %c0_i32 : i32, i32
  }
}

</mosaic_0001>

<sc_bundles>
// kernel: kernel.11.cloned.1.call-start
scs
__scs_entry_jumppad:
0x0: {  	(pc) =	sbr.rel $0x88, $3  }
0x1: {  	(tag) =	ssettag $0x0;
	lr =	simm.s32 $0x1  }
0x2: {  	[smem:$0x3F9B] =	sst lr;
	_ =	strace $0xD0000000  }
0x3: {  	_ = 	snop  }
0x4: {  	_ = 	snop  }
0x5: {  	_ = 	snop  }
0x6: {  	_ = 	snop  }
0x7: {  	_ = 	snop  }
__scs_overlays_trampoline_lowered:
0x8: {  	[smem:$0x3FAA] =	sst s0  }
0x9: {  	[smem:$0x3FAB] =	sst s1  }
0xa: {  	[smem:$0x3FAC] =	sst s2  }
0xb: {  	[smem:$0x3FAD] =	sst s3  }
0xc: {  	[smem:$0x3FAE] =	sst s4  }
0xd: {  	[smem:$0x3FAF] =	sst s5  }
0xe: {  	[smem:$0x3FB0] =	sst s6  }
0xf: {  	[smem:$0x3FB1] =	sst s7  }
0x10: {  	[smem:$0x3FB2] =	sst s8  }
0x11: {  	[smem:$0x3FB3] =	sst s9;
	s0 =	simm.s32 @!p0 $0x0  }
0x12: {  	s1 =	sld [smem:$0x3F99];
	s0 =	simm.s32 @p0 $0x1  }
0x13: {  	[smem:$0x3FB4] =	sst s0;
	s0 =	simm.s32 @!p1 $0x0  }
0x14: {  	s2 =	sld [smem:$0x3F98];
	s0 =	simm.s32 @p1 $0x1  }
0x15: {  	[smem:$0x3FB5] =	sst s0;
	s0 =	simm.s32 @!p2 $0x0  }
0x16: {  	s3 =	sld [smem:$0x3FDB];
	s0 =	simm.s32 @p2 $0x1  }
0x17: {  	s4 =	simm.s32 $0x1BF5;
	[smem:$0x3FB7] =	sst s0  }
0x18: {  	s0 =	sld [smem:$0x3F9A];
	_ =	swait.ge [sflag:s4], $0x0  }
0x19: {  	s7 =	sld [smem:$0x3F9B]  }
0x1a: {  	s8 =	sadd.s32 $0xFFFFE003, lr  }
0x1b: {  	s9 =	sadd.s32 $0xFFFFFEF7, lr;
	s5 =	simm.s32 $0xFFFFFFFF;
	p2 =	slt.u32 s8, $0xFFFFF086  }
0x1c: {  	p1 =	slt.u32 s9, $0xF7A;
	s5 =	simm.s32 @!p2 $0x0  }
0x1d: {  	s5 =	simm.s32 @p1 $0x1;
	p0 =	seq.s32 s7, s2  }
0x1e: {  	s7 =	smul.u32 @!p0 $0xF7A, s2;
	p2 =	seq.s32 @!p0 s5, $0x0  }
0x1f: {  	s9 =	smul.u32 $0xF7A, s1;
	s8 =	simm.s32 @!p0 $0x1BF5;
	p2 =	por !p2, p0  }
0x20: {  	[sflag:s8] =	ssyncset.s32 @!p0 $0xFFFFF086;
	s6 =	sadd.s32 @!p0 s3, s7;
	s7 =	simm.s32 @!p0 $0x108  }
0x21: {  	s3 =	sadd.s32 s3, s9;
	s6 =	sadd.s32 @!p0 $0x88, s6;
	s7 =	simm.s32 @p2 $0x1082  }
0x22: {  	[simem:s7], [sflag:s8] =	dma.local @!p0 [hbm:s6], $0xF7A  }
0x23: {  	s9 =	sor.u32 $0xD0000000, s2;
	s6 =	simm.s32 $0x108;
	_ =	swait.ge @!p0 [sflag:s8], $0x0  }
0x24: {  	s3 =	sadd.s32 $0x88, s3;
	s6 =	simm.s32 @!p1 $0x1082;
	[sflag:s4] =	ssyncset.s32 $0xFFFFF086  }
0x25: {  	[simem:s6], [sflag:s4] =	dma.local [hbm:s3], $0xF7A  }
0x26: {  	[smem:$0x3F9B] =	sst s1;
	(tag) =	ssettag s2;
	_ =	strace s9  }
0x27: {  	s1 =	sld [smem:$0x3FAB]  }
0x28: {  	s2 =	sld [smem:$0x3FAC]  }
0x29: {  	s4 =	sld [smem:$0x3FAE]  }
0x2a: {  	p0 =	seq.s32 s5, $0x0;
	s5 =	sld [smem:$0x3FAF]  }
0x2b: {  	s6 =	sld [smem:$0x3FB0]  }
0x2c: {  	s7 =	sld [smem:$0x3FB1]  }
0x2d: {  	s3 =	simm.s32 $0x108;
	s8 =	sld [smem:$0x3FB2]  }
0x2e: {  	s3 =	simm.s32 @!p0 $0x1082;
	s9 =	sld [smem:$0x3FB3]  }
0x2f: {  	lr =	sadd.s32 s0, s3;
	s0 =	sld [smem:$0x3FAA]  }
0x30: {  	s3 =	sld [smem:$0x3FAD]  }
0x31: {  	[smem:$0x3FB6] =	sst s10  }
0x32: {  	s10 =	sld [smem:$0x3FB4];
	_ =	sdelay $0x3  }
0x33: {  	p0 =	seq.s32 s10, $0x1;
	s10 =	sld [smem:$0x3FB6];
	_ =	sdelay $0x3  }
0x34: {  	[smem:$0x3FB6] =	sst s10  }
0x35: {  	s10 =	sld [smem:$0x3FB5];
	_ =	sdelay $0x3  }
0x36: {  	p1 =	seq.s32 s10, $0x1;
	s10 =	sld [smem:$0x3FB6];
	_ =	sdelay $0x3  }
0x37: {  	[smem:$0x3FB6] =	sst s10  }
0x38: {  	s10 =	sld [smem:$0x3FB7]  }
0x39: {  	_ = 	snop;
	(pc) =	sbr.ind lr, $3  }
0x3a: {  	_ = 	snop  }
0x3b: {  	_ = 	snop  }
0x3c: {  	p2 =	seq.s32 s10, $0x1;
	s10 =	sld [smem:$0x3FB6]  }
0x3d: {  	_ =	shalt  }
0x3e: {  	_ =	shalt  }
0x3f: {  	_ =	shalt  }
0x40: {  	_ =	shalt  }
0x41: {  	_ =	shalt  }
0x42: {  	_ =	shalt  }
0x43: {  	_ =	shalt  }
0x44: {  	_ =	shalt  }
0x45: {  	_ =	shalt  }
0x46: {  	_ =	shalt  }
0x47: {  	_ =	shalt  }
0x48: {  	_ =	shalt  }
0x49: {  	_ =	shalt  }
0x4a: {  	_ =	shalt  }
0x4b: {  	_ =	shalt  }
0x4c: {  	_ =	shalt  }
0x4d: {  	_ =	shalt  }
0x4e: {  	_ =	shalt  }
0x4f: {  	_ =	shalt  }
0x50: {  	_ =	shalt  }
0x51: {  	_ =	shalt  }
0x52: {  	_ =	shalt  }
0x53: {  	_ =	shalt  }
0x54: {  	_ =	shalt  }
0x55: {  	_ =	shalt  }
0x56: {  	_ =	shalt  }
0x57: {  	_ =	shalt  }
0x58: {  	_ =	shalt  }
0x59: {  	_ =	shalt  }
0x5a: {  	_ =	shalt  }
0x5b: {  	_ =	shalt  }
0x5c: {  	_ =	shalt  }
0x5d: {  	_ =	shalt  }
0x5e: {  	_ =	shalt  }
0x5f: {  	_ =	shalt  }
0x60: {  	_ =	shalt  }
0x61: {  	_ =	shalt  }
0x62: {  	_ =	shalt  }
0x63: {  	_ =	shalt  }
0x64: {  	_ =	shalt  }
0x65: {  	_ =	shalt  }
0x66: {  	_ =	shalt  }
0x67: {  	_ =	shalt  }
0x68: {  	_ =	shalt  }
0x69: {  	_ =	shalt  }
0x6a: {  	_ =	shalt  }
0x6b: {  	_ =	shalt  }
0x6c: {  	_ =	shalt  }
0x6d: {  	_ =	shalt  }
0x6e: {  	_ =	shalt  }
0x6f: {  	_ =	shalt  }
0x70: {  	_ =	shalt  }
0x71: {  	_ =	shalt  }
0x72: {  	_ =	shalt  }
0x73: {  	_ =	shalt  }
0x74: {  	_ =	shalt  }
0x75: {  	_ =	shalt  }
0x76: {  	_ =	shalt  }
0x77: {  	_ =	shalt  }
0x78: {  	_ =	shalt  }
0x79: {  	_ =	shalt  }
0x7a: {  	_ =	shalt  }
0x7b: {  	_ =	shalt  }
0x7c: {  	_ =	shalt  }
0x7d: {  	_ =	shalt  }
0x7e: {  	_ =	shalt  }
0x7f: {  	_ =	shalt  }
0x80: {  	_ =	shalt  }
0x81: {  	_ =	shalt  }
0x82: {  	_ =	shalt  }
0x83: {  	_ =	shalt  }
0x84: {  	_ =	shalt  }
0x85: {  	_ =	shalt  }
0x86: {  	_ =	shalt  }
0x87: {  	_ =	shalt  }
.Lfunc_end0:
.L_simem_size_0:
called_computation.1_lowered:
.L_overlay_start_0:
0x88: {  	s2 =	sld [smem:$0x3FD9]  }
0x89: {  	s3 =	sld [smem:$0x3FFE];
	_ =	sdelay $0x1  }
0x8a: {  	s1 =	srdreg.scid  }
0x8b: {  	s0 =	sand.u32 $0x1, s1  }
0x8c: {  	s16 =	sshll.u32 s0, $0xA;
	s2 =	sadd.s32 s3, s2  }
0x8d: {  	s2 =	sadd.s32 s2, s16  }
0x8e: {  	[smem:$0x3FC2] =	sst s2  }
0x8f: {  	_ = 	snop  }
0x90: {  	(tm) =	ssettm $0x1  }
0x91: {  	s17 =	sld [smem:$0x3FFB];
	_ =	sdelay $0x3  }
0x92: {  	_ =	strace s17  }
0x93: {  	s2 =	sld [smem:$0x3FFC];
	_ =	sdelay $0x3  }
0x94: {  	_ =	strace s2  }
0x95: {  	s2 =	sld [smem:$0x3FFD];
	_ =	sdelay $0x3  }
0x96: {  	_ =	strace s2  }
0x97: {  	_ =	strace $0x8FFFFFFF  }
0x98: {  	s18 =	sld [smem:$0x3FDB];
	_ =	sdelay $0x1  }
0x99: {  	s19 =	simm.s32 $_scs_section_size  }
0x9a: {  	s4 =	simm.s32 $_size__tile_overlayer_lowered;
	s5 =	simm.s32 $_tile_overlayer_lowered  }
0x9b: {  	s22 =	simm.s32 $0x1BFF;
	s21 =	sshll.u32 s5, $0x1;
	s2 =	sadd.s32 s19, s18  }
0x9c: {  	s6 =	simm.s32 $0x0;
	s20 =	sshll.u32 s4, $0x1;
	s4 =	sadd.s32 s21, s2  }
0x9d: {  	[timem:s6], [sflag:s22] =	dma.local [hbm:s4], s20  }
0x9e: {  	_ =	swait.ge [sflag:s22], s20  }
0x9f: {  	s3 =	ssub.s32 $0x0, s20;
	[sflag:s22] =	ssyncset.done $0x0  }
0xa0: {  	[sflag:s22] =	ssyncadd.s32 s3;
	_ =	sdelay $0x1  }
0xa1: {  	s23 =	simm.s32 $0x1B8B  }
0xa2: {  	_ =	swait.ge [sflag:s23], $0x1  }
0xa3: {  	[sflag:s23] =	ssyncset.done $0x0  }
0xa4: {  	s25 =	simm.s32 $0x1B8E;
	s24 =	sld [smem:$0x3FFE];
	[sflag:s23] =	ssyncadd.s32 $0xFFFFFFFF  }
0xa5: {  	s26 =	simm.s32 $execute0_lowered;
	[smem:$0x3FD2] =	sst s25  }
0xa6: {  	s4 =	sshll.u32 s26, $0x1;
	_ =	strace $0x80000049;
	[dreg:$0x1] =	wrdreg $0xFFFFFFFF  }
0xa7: {  	s28 =	simm.s32 $_size_execute0_lowered;
	s2 =	sadd.s32 s2, s4;
	[dreg:$0x0] =	wrdreg $0x0  }
0xa8: {  	s4 =	sshll.u32 s28, $0x1;
	[dreg:$0x2] =	wrdreg s2  }
0xa9: {  	[dreg:$0x3] =	wrdreg s4  }
0xaa: {  	[dreg:$0x4] =	wrdreg $0xC0  }
0xab: {  	_ =	task [dreg:s6], $0x5FFFF  }
0xac: {  	[dreg:$0x1] =	wrdreg $0xFFFFFFFF  }
0xad: {  	[dreg:$0x0] =	wrdreg $0x60  }
0xae: {  	[dreg:$0x2] =	wrdreg s24  }
0xaf: {  	[dreg:$0x3] =	wrdreg $0x98000  }
0xb0: {  	[dreg:$0x4] =	wrdreg $0x70000  }
0xb1: {  	[dreg:$0x5] =	wrdreg $0x9  }
0xb2: {  	_ =	task.clear_ibuf [dreg:s6], $0x6FFFF;
	_ =	strace $0x90000049  }
0xb3: {  	s29 =	simm.s32 $0x9;
	_ =	strace $0x8000004B  }
0xb4: {  	_ =	swait.ge [sflag:s29], $0x1  }
0xb5: {  	[sflag:s29] =	ssyncadd.s32 $0xFFFFFFFF  }
0xb6: {  	_ =	strace $0x9000004B  }
0xb7: {  	_ =	sfence  }
0xb8: {  	s30 =	sld [smem:$0x0];
	_ =	sdelay $0x2  }
0xb9: {  	s31 =	sshll.u32 s1, $0xD;
	s1 =	sshrl.u32 s1, $0x2  }
0xba: {  	s3 =	sand.u32 $0x4000, s31;
	s1 =	sadd.s32 s1, s30  }
0xbb: {  	s0 =	sor.u32 s3, s0;
	s1 =	sshll.u32 s1, $0x11  }
0xbc: {  	s0 =	sor.u32 s1, s0  }
0xbd: {  	s0 =	sadd.s32 $0x8F2B, s0  }
0xbe: {  	[sflag:s0] =	ssyncadd.remote.s32 $0x1  }
0xbf: {  	_ =	sfence.sel $0xFFFF  }
0xc0: {  	[dreg:$0x0] =	wrdreg $0xFFFFFFFF;
	(pc) =	sbr.abs _section_cstart, $3  }
0xc1: {  	[dreg:$0x1] =	wrdreg $0xFFFFFFFF  }
0xc2: {  	_ =	task.clear_ibuf [dreg:s6], $0x2FFFF;
	_ =	strace $0x9FFFFFFF  }
0xc3: {  	(tm) =	ssettm $0x7FFFFFFF  }
tec
execute0_lowered:
.L_overlay_start_1:
0x0: {  	(tag) =	ssettag $0x1  }
0x1: {  	s1 =	rddreg [dreg:$0x0]  }
0x2: {  	s0 =	srdreg.scid;
	s2 =	rddreg [dreg:$0x1]  }
0x3: {  	s18 =	stileid.u32;
	s3 =	rddreg [dreg:$0x2]  }
0x4: {  	s15 =	simm.s32 $0x6800;
	s16 =	simm.s32 $0x3;
	s20 =	simm.s32 $0x80  }
0x5: {  	s21 =	simm.s32 $0x5000;
	s28 =	simm.s32 $0x1;
	s29 =	simm.s32 $0x2  }
0x6: {  	s30 =	simm.s32 $0x4E00;
	s31 =	simm.s32 $0x4E80;
	s10 =	smul.u32 $0x2800, s18  }
0x7: {  	s0 =	sand.u32 $0x1, s0;
	s22 =	smul.u32 $0xA000, s18;
	s26 =	sshll.u32 s18, $0x6  }
0x8: {  	s4 =	sshll.u32 s0, $0x4;
	s7 =	smul.u32 $0x28000, s0;
	s0 =	ssub.s32 $0x2, s0  }
0x9: {  	s5 =	sor.u32 s18, s4;
	s4 =	simm.s32 $0x0;
	s6 =	sshrl.u32 s10, $0x3  }
0xa: {  	s24 =	sshrl.u32 s0, $0x1;
	s17 =	sadd.s32 s10, s3;
	s25 =	sadd.s32 s10, s2  }
0xb: {  	s18 =	sor.u32 $0x1C03, s26;
	s5 =	smul.u32 $0x500, s5;
	[smem:$0x7FF] =	sst s4  }
0xc: {  	s8 =	sadd.s32 s6, s1;
	s23 =	sadd.s32 s10, s7;
	s6 =	sshrl.u32 s22, $0x2  }
0xd: {  	s0 =	ssub.s32 s0, s24;
	s19 =	sshrl.u32 s17, $0x3;
	s22 =	simm.s32 $0x5800  }
0xe: {  	s24 =	simm.s32 $0x6000;
	s25 =	sshrl.u32 s25, $0x3;
	_ =	strace $0x8000004A  }
0xf: {  	s8 =	sadd.s32 $0x2000, s8;
	s9 =	sadd.s32 s5, s1;
	s5 =	sshrl.u32 s23, $0x3  }
0x10: {  	s10 =	smax.u32 s0, $0x1;
	s0 =	simm.s32 $0x4F80;
	s1 =	sadd.s32 s5, s1  }
0x11: {  	s5 =	sadd.s32 s6, s2;
	s6 =	sadd.s32 $0x16000, s9;
	s7 =	sadd.s32 $0xC000, s9  }
0x12: {  	s9 =	sadd.s32 $0x48000, s1;
	s11 =	sadd.s32 $0x800, s5;
	s12 =	sadd.s32 $0x1000, s5  }
0x13: {  	v0 =	vimm.f32 $0.0e+00;
	s13 =	sadd.s32 $0x1800, s5;
	s14 =	sadd.s32 $0x2000, s5;
	s1 =	simm.s32 $0x4F00  }
.LBB2_1:
0x14: {  	s17 =	simm.s32 $0x40;
	s23 =	simm.s32 $0x0  }
.LBB2_2:
0x15: {  	p0 =	sne.s32 s17, $0x1FC0;
	[tilespmem:s23+$0x6800] =	vst v0;
	s23 =	smov.u32 s17;
	s17 =	sadd.s32 $0x40, s17  }
.Ltmp0:
0x16: {  	(pc) =	sbr.rel @p0 .LBB2_2-.Ltmp0, $2  }
0x17: {  	_ =	sdelay $0x2  }
0x18: {  	s23 =	sshra.s32 s23, $0x2  }
0x19: {  	[tilespmem:s23+$0x6800] =	vst v0  }
0x1a: {  	[spmem:s5] =	stream.linear.scatter [tilespmem:s15], [sflag:$0x3], $0x800, $0x38;
	[tilespmem:$0xC000] =	vst v63  }
0x1b: {  	_ =	swait.ge [sflag:s16], $0x800  }
0x1c: {  	[sflag:s16] =	ssyncset.done $0x0  }
0x1d: {  	[sflag:s16] =	ssyncadd.s32 $0xFFFFF800  }
0x1e: {  	[spmem:s11] =	stream.linear.scatter [tilespmem:s15], [sflag:$0x3], $0x800, $0x38;
	[tilespmem:$0xC000] =	vst v63  }
0x1f: {  	_ =	swait.ge [sflag:s16], $0x800  }
0x20: {  	[sflag:s16] =	ssyncset.done $0x0  }
0x21: {  	[sflag:s16] =	ssyncadd.s32 $0xFFFFF800  }
0x22: {  	[spmem:s12] =	stream.linear.scatter [tilespmem:s15], [sflag:$0x3], $0x800, $0x38;
	[tilespmem:$0xC000] =	vst v63  }
0x23: {  	_ =	swait.ge [sflag:s16], $0x800  }
0x24: {  	[sflag:s16] =	ssyncset.done $0x0  }
0x25: {  	[sflag:s16] =	ssyncadd.s32 $0xFFFFF800  }
0x26: {  	[spmem:s13] =	stream.linear.scatter [tilespmem:s15], [sflag:$0x3], $0x800, $0x38;
	[tilespmem:$0xC000] =	vst v63  }
0x27: {  	_ =	swait.ge [sflag:s16], $0x800  }
0x28: {  	[sflag:s16] =	ssyncset.done $0x0  }
0x29: {  	[sflag:s16] =	ssyncadd.s32 $0xFFFFF800  }
0x2a: {  	[spmem:s14] =	stream.linear.scatter [tilespmem:s15], [sflag:$0x3], $0x800, $0x38;
	[tilespmem:$0xC000] =	vst v63  }
0x2b: {  	_ =	swait.ge [sflag:s16], $0x800  }
0x2c: {  	[sflag:s16] =	ssyncset.done $0x0  }
0x2d: {  	s17 =	simm.s32 $0x0;
	[sflag:s16] =	ssyncadd.s32 $0xFFFFF800  }
0x2e: {  	[tilespmem:s17], [sflag:$0x3] =	stream.linear.gather [hbm4b:s6+s17], $0x2800, $0x38;
	[tilespmem:$0xC000] =	vst v63  }
0x2f: {  	_ =	swait.ge [sflag:s16], $0x2800  }
0x30: {  	[sflag:s16] =	ssyncset.done $0x0  }
0x31: {  	s26 =	simm.s32 $0x2800;
	[sflag:s16] =	ssyncadd.s32 $0xFFFFD800  }
0x32: {  	[tilespmem:s26], [sflag:$0x3] =	stream.linear.gather [hbm4b:s7+s17], $0x2800, $0x38;
	[tilespmem:$0xC000] =	vst v63  }
0x33: {  	_ =	swait.ge [sflag:s16], $0x2800  }
0x34: {  	[sflag:s16] =	ssyncset.done $0x0  }
0x35: {  	[sflag:s16] =	ssyncadd.s32 $0xFFFFD800  }
0x36: {  	[spmem:s19], [sflag:s18] =	dma.local [hbm:s8], $0x500  }
0x37: {  	_ =	swait.ge [sflag:s16], $0x500  }
0x38: {  	[sflag:s16] =	ssyncset.done $0x0  }
0x39: {  	[sflag:s16] =	ssyncadd.s32 $0xFFFFFB00  }
0x3a: {  	[bflag:$0x0] =	sbarrier.arrive $0xFFFF  }
0x3b: {  	[tilespmem:s21], [sflag:$0x1] =	stream.indirect.gather [spmem:s3], $0x10, s17, s20, $0xb8;
	[tilespmem:$0xC000] =	vst v63  }
0x3c: {  	_ = 	snop  }
0x3d: {  	[tilespmem:s22], [sflag:$0x1] =	stream.indirect.gather [spmem:s3], $0x10, s20, s20, $0xb8;
	[tilespmem:$0xC000] =	vst v63  }
0x3e: {  	s26 =	simm.s32 $0x100  }
0x3f: {  	[tilespmem:s24], [sflag:$0x1] =	stream.indirect.gather [spmem:s3], $0x10, s26, s20, $0xb8;
	[tilespmem:$0xC000] =	vst v63  }
0x40: {  	s23 =	simm.s32 $0x180  }
0x41: {  	[tilespmem:s15], [sflag:$0x1] =	stream.indirect.gather [spmem:s3], $0x10, s23, s20, $0xb8;
	[tilespmem:$0xC000] =	vst v63  }
0x42: {  	_ =	swait.ge [sflag:s28], $0x800  }
0x43: {  	[sflag:s28] =	ssyncset.done $0x0  }
0x44: {  	s26 =	simm.s32 $0x2800;
	[sflag:s28] =	ssyncadd.s32 $0xFFFFF800  }
0x45: {  	[spmem:s2] =	stream.indirect.scatter.add.f32 [tilespmem:s21], [sflag:$0x2], $0x10, s26, s20, $0xb8;
	[tilespmem:$0xC000] =	vst v63  }
0x46: {  	_ =	swait.ge [sflag:s28], $0x800  }
0x47: {  	[sflag:s28] =	ssyncset.done $0x0  }
0x48: {  	s23 =	simm.s32 $0x2880;
	[sflag:s28] =	ssyncadd.s32 $0xFFFFF800  }
0x49: {  	[spmem:s2] =	stream.indirect.scatter.add.f32 [tilespmem:s22], [sflag:$0x2], $0x10, s23, s20, $0xb8;
	[tilespmem:$0xC000] =	vst v63  }
0x4a: {  	_ =	swait.ge [sflag:s28], $0x800  }
0x4b: {  	[sflag:s28] =	ssyncset.done $0x0  }
0x4c: {  	s26 =	simm.s32 $0x2900;
	[sflag:s28] =	ssyncadd.s32 $0xFFFFF800  }
0x4d: {  	[spmem:s2] =	stream.indirect.scatter.add.f32 [tilespmem:s24], [sflag:$0x2], $0x10, s26, s20, $0xb8;
	[tilespmem:$0xC000] =	vst v63  }
0x4e: {  	_ =	swait.ge [sflag:s28], $0x800  }
0x4f: {  	[sflag:s28] =	ssyncset.done $0x0  }
0x50: {  	s23 =	simm.s32 $0x2980;
	[sflag:s28] =	ssyncadd.s32 $0xFFFFF800  }
0x51: {  	[spmem:s2] =	stream.indirect.scatter.add.f32 [tilespmem:s15], [sflag:$0x2], $0x10, s23, s20, $0xb8;
	[tilespmem:$0xC000] =	vst v63  }
0x52: {  	_ =	swait.ge [sflag:s29], $0x800  }
0x53: {  	[sflag:s29] =	ssyncset.done $0x0  }
0x54: {  	s26 =	simm.s32 $0x200;
	[sflag:s29] =	ssyncadd.s32 $0xFFFFF800  }
0x55: {  	[tilespmem:s21], [sflag:$0x1] =	stream.indirect.gather [spmem:s3], $0x10, s26, s20, $0xb8;
	[tilespmem:$0xC000] =	vst v63  }
0x56: {  	_ =	swait.ge [sflag:s29], $0x800  }
0x57: {  	[sflag:s29] =	ssyncset.done $0x0  }
0x58: {  	s23 =	simm.s32 $0x280;
	[sflag:s29] =	ssyncadd.s32 $0xFFFFF800  }
0x59: {  	[tilespmem:s22], [sflag:$0x1] =	stream.indirect.gather [spmem:s3], $0x10, s23, s20, $0xb8;
	[tilespmem:$0xC000] =	vst v63  }
0x5a: {  	_ =	swait.ge [sflag:s29], $0x800  }
0x5b: {  	[sflag:s29] =	ssyncset.done $0x0  }
0x5c: {  	s26 =	simm.s32 $0x300;
	[sflag:s29] =	ssyncadd.s32 $0xFFFFF800  }
0x5d: {  	[tilespmem:s24], [sflag:$0x1] =	stream.indirect.gather [spmem:s3], $0x10, s26, s20, $0xb8;
	[tilespmem:$0xC000] =	vst v63  }
0x5e: {  	_ =	swait.ge [sflag:s29], $0x800  }
0x5f: {  	[sflag:s29] =	ssyncset.done $0x0  }
0x60: {  	s17 =	simm.s32 $0x800;
	s23 =	simm.s32 $0x380;
	[sflag:s29] =	ssyncadd.s32 $0xFFFFF800  }
.LBB2_4:
0x61: {  	[tilespmem:s15], [sflag:$0x1] =	stream.indirect.gather [spmem:s3], $0x10, s23, s20, $0xb8;
	[tilespmem:$0xC000] =	vst v63  }
0x62: {  	s23 =	smov.u32 s17  }
0x63: {  	p0 =	sne.s32 s17, $0x9000;
	s17 =	sadd.s32 $0x800, s17;
	_ =	swait.ge [sflag:s28], $0x800  }
0x64: {  	s23 =	sshra.s32 s23, $0x2;
	[sflag:s28] =	ssyncset.done $0x0  }
0x65: {  	s26 =	sadd.s32 $0x2800, s23;
	[sflag:s28] =	ssyncadd.s32 $0xFFFFF800  }
0x66: {  	[spmem:s2] =	stream.indirect.scatter.add.f32 [tilespmem:s21], [sflag:$0x2], $0x10, s26, s20, $0xb8;
	[tilespmem:$0xC000] =	vst v63  }
0x67: {  	_ =	swait.ge [sflag:s28], $0x800  }
0x68: {  	[sflag:s28] =	ssyncset.done $0x0  }
0x69: {  	s26 =	sadd.s32 $0x2880, s23;
	[sflag:s28] =	ssyncadd.s32 $0xFFFFF800  }
0x6a: {  	[spmem:s2] =	stream.indirect.scatter.add.f32 [tilespmem:s22], [sflag:$0x2], $0x10, s26, s20, $0xb8;
	[tilespmem:$0xC000] =	vst v63  }
0x6b: {  	_ =	swait.ge [sflag:s28], $0x800  }
0x6c: {  	[sflag:s28] =	ssyncset.done $0x0  }
0x6d: {  	s26 =	sadd.s32 $0x2900, s23;
	[sflag:s28] =	ssyncadd.s32 $0xFFFFF800  }
0x6e: {  	[spmem:s2] =	stream.indirect.scatter.add.f32 [tilespmem:s24], [sflag:$0x2], $0x10, s26, s20, $0xb8;
	[tilespmem:$0xC000] =	vst v63  }
0x6f: {  	_ =	swait.ge [sflag:s28], $0x800  }
0x70: {  	[sflag:s28] =	ssyncset.done $0x0  }
0x71: {  	s26 =	sadd.s32 $0x2980, s23;
	[sflag:s28] =	ssyncadd.s32 $0xFFFFF800  }
0x72: {  	[spmem:s2] =	stream.indirect.scatter.add.f32 [tilespmem:s15], [sflag:$0x2], $0x10, s26, s20, $0xb8;
	[tilespmem:$0xC000] =	vst v63  }
0x73: {  	_ =	swait.ge [sflag:s29], $0x800  }
0x74: {  	[sflag:s29] =	ssyncset.done $0x0  }
0x75: {  	s26 =	sadd.s32 $0x200, s23;
	[sflag:s29] =	ssyncadd.s32 $0xFFFFF800  }
0x76: {  	[tilespmem:s21], [sflag:$0x1] =	stream.indirect.gather [spmem:s3], $0x10, s26, s20, $0xb8;
	[tilespmem:$0xC000] =	vst v63  }
0x77: {  	_ =	swait.ge [sflag:s29], $0x800  }
0x78: {  	[sflag:s29] =	ssyncset.done $0x0  }
0x79: {  	s26 =	sadd.s32 $0x280, s23;
	[sflag:s29] =	ssyncadd.s32 $0xFFFFF800  }
0x7a: {  	[tilespmem:s22], [sflag:$0x1] =	stream.indirect.gather [spmem:s3], $0x10, s26, s20, $0xb8;
	[tilespmem:$0xC000] =	vst v63  }
0x7b: {  	_ =	swait.ge [sflag:s29], $0x800  }
0x7c: {  	[sflag:s29] =	ssyncset.done $0x0  }
.Ltmp1:
0x7d: {  	s26 =	sadd.s32 $0x300, s23;
	[sflag:s29] =	ssyncadd.s32 $0xFFFFF800;
	(pc) =	sbr.rel @p0 .LBB2_4-.Ltmp1, $4  }
0x7e: {  	[tilespmem:s24], [sflag:$0x1] =	stream.indirect.gather [spmem:s3], $0x10, s26, s20, $0xb8;
	[tilespmem:$0xC000] =	vst v63  }
0x7f: {  	_ =	swait.ge [sflag:s29], $0x800  }
0x80: {  	[sflag:s29] =	ssyncset.done $0x0  }
0x81: {  	s23 =	sadd.s32 $0x380, s23;
	[sflag:s29] =	ssyncadd.s32 $0xFFFFF800  }
0x82: {  	[tilespmem:s15], [sflag:$0x1] =	stream.indirect.gather [spmem:s3], $0x10, s23, s20, $0xb8;
	[tilespmem:$0xC000] =	vst v63  }
0x83: {  	_ =	swait.ge [sflag:s28], $0x800  }
0x84: {  	[sflag:s28] =	ssyncset.done $0x0  }
0x85: {  	[sflag:s28] =	ssyncadd.s32 $0xFFFFF800  }
0x86: {  	[spmem:s2] =	stream.indirect.scatter.add.f32 [tilespmem:s21], [sflag:$0x2], $0x10, s30, s20, $0xb8;
	[tilespmem:$0xC000] =	vst v63  }
0x87: {  	_ =	swait.ge [sflag:s28], $0x800  }
0x88: {  	[sflag:s28] =	ssyncset.done $0x0  }
0x89: {  	[sflag:s28] =	ssyncadd.s32 $0xFFFFF800  }
0x8a: {  	[spmem:s2] =	stream.indirect.scatter.add.f32 [tilespmem:s22], [sflag:$0x2], $0x10, s31, s20, $0xb8;
	[tilespmem:$0xC000] =	vst v63  }
0x8b: {  	_ =	swait.ge [sflag:s28], $0x800  }
0x8c: {  	[sflag:s28] =	ssyncset.done $0x0  }
0x8d: {  	[sflag:s28] =	ssyncadd.s32 $0xFFFFF800  }
0x8e: {  	[spmem:s2] =	stream.indirect.scatter.add.f32 [tilespmem:s24], [sflag:$0x2], $0x10, s1, s20, $0xb8;
	[tilespmem:$0xC000] =	vst v63  }
0x8f: {  	_ =	swait.ge [sflag:s28], $0x800  }
0x90: {  	[sflag:s28] =	ssyncset.done $0x0  }
0x91: {  	[sflag:s28] =	ssyncadd.s32 $0xFFFFF800  }
0x92: {  	[spmem:s2] =	stream.indirect.scatter.add.f32 [tilespmem:s15], [sflag:$0x2], $0x10, s0, s20, $0xb8;
	[tilespmem:$0xC000] =	vst v63  }
0x93: {  	_ =	swait.ge [sflag:s29], $0x800  }
0x94: {  	[sflag:s29] =	ssyncset.done $0x0  }
0x95: {  	[sflag:s29] =	ssyncadd.s32 $0xFFFFF800  }
0x96: {  	_ =	swait.ge [sflag:s29], $0x800  }
0x97: {  	[sflag:s29] =	ssyncset.done $0x0  }
0x98: {  	[sflag:s29] =	ssyncadd.s32 $0xFFFFF800  }
0x99: {  	_ =	swait.ge [sflag:s29], $0x800  }
0x9a: {  	[sflag:s29] =	ssyncset.done $0x0  }
0x9b: {  	[sflag:s29] =	ssyncadd.s32 $0xFFFFF800  }
0x9c: {  	_ =	swait.ge [sflag:s29], $0x800  }
0x9d: {  	s4 =	sadd.s32 $0x1, s4;
	[sflag:s29] =	ssyncset.done $0x0  }
0x9e: {  	p0 =	sne.s32 s4, s10;
	[sflag:s29] =	ssyncadd.s32 $0xFFFFF800  }
.Ltmp2:
0x9f: {  	[bflag:$0x0] =	sbarrier.arrive $0xFFFF;
	(pc) =	sbr.rel @p0 .LBB2_1-.Ltmp2, $4  }
0xa0: {  	[hbm:s9], [sflag:s18] =	dma.local [spmem:s25], $0x500  }
0xa1: {  	_ =	swait.ge [sflag:s16], $0x500  }
0xa2: {  	[sflag:s16] =	ssyncset.done $0x0  }
0xa3: {  	[sflag:s16] =	ssyncadd.s32 $0xFFFFFB00  }
0xa4: {  	_ =	sfence.sel $0x180000  }
0xa5: {  	[bflag:$0x0] =	sbarrier.arrive $0xFFFF  }
0xa6: {  	_ =	strace $0x9000004A  }
0xa7: {  	s0 =	stileid.u32;
	[bflag:$0x2] =	sbarrier.arrive $0xFFFF  }
0xa8: {  	p0 =	sne.s32 s0, $0x0;
	s0 =	rddreg [dreg:$0x3]  }
0xa9: {  	s0 =	sadd.s32 @!p0 $0x100000, s0  }
0xaa: {  	[sflag:s0] =	ssyncadd.tile.s32 @!p0 $0x1;
	_ =	shalt  }
.Lfunc_end2:
_tile_overlayer_lowered:
.L_overlay_start_2:
0xab: {  	(tag) =	ssettag $0x2  }
0xac: {  	s0 =	rddreg [dreg:$0x0];
	s2 =	stileid.u32  }
0xad: {  	s1 =	rddreg [dreg:$0x1];
	p0 =	sne.s32 s2, $0x0  }
0xae: {  	s3 =	rddreg [dreg:$0x2];
	[bflag:$0x3] =	sbarrier.arrive $0xFFFF;
	s2 =	simm.s32 @!p0 $0x1C03  }
0xaf: {  	[timem:s3], [sflag:s2] =	dma.local @!p0 [hbm:s0], s1  }
0xb0: {  	s0 =	simm.s32 @!p0 $0x3  }
0xb1: {  	_ =	swait.ge @!p0 [sflag:s0], s1  }
0xb2: {  	s1 =	ssub.s32 @!p0 $0x0, s1;
	[sflag:s0] =	ssyncset.done @!p0 $0x0  }
0xb3: {  	[sflag:s0] =	ssyncadd.s32 @!p0 s1  }
0xb4: {  	[bflag:$0x3] =	sbarrier.arrive $0xFFFF  }
0xb5: {  	_ =	shalt  }

// kernel: kernel.14.cloned.1.call-start
scs
__scs_entry_jumppad:
0x0: {  	(pc) =	sbr.rel $0x88, $3  }
0x1: {  	(tag) =	ssettag $0x0;
	lr =	simm.s32 $0x1  }
0x2: {  	[smem:$0x3F9B] =	sst lr;
	_ =	strace $0xD0000000  }
0x3: {  	_ = 	snop  }
0x4: {  	_ = 	snop  }
0x5: {  	_ = 	snop  }
0x6: {  	_ = 	snop  }
0x7: {  	_ = 	snop  }
__scs_overlays_trampoline_lowered:
0x8: {  	[smem:$0x3FAA] =	sst s0  }
0x9: {  	[smem:$0x3FAB] =	sst s1  }
0xa: {  	[smem:$0x3FAC] =	sst s2  }
0xb: {  	[smem:$0x3FAD] =	sst s3  }
0xc: {  	[smem:$0x3FAE] =	sst s4  }
0xd: {  	[smem:$0x3FAF] =	sst s5  }
0xe: {  	[smem:$0x3FB0] =	sst s6  }
0xf: {  	[smem:$0x3FB1] =	sst s7  }
0x10: {  	[smem:$0x3FB2] =	sst s8  }
0x11: {  	[smem:$0x3FB3] =	sst s9;
	s0 =	simm.s32 @!p0 $0x0  }
0x12: {  	s1 =	sld [smem:$0x3F99];
	s0 =	simm.s32 @p0 $0x1  }
0x13: {  	[smem:$0x3FB4] =	sst s0;
	s0 =	simm.s32 @!p1 $0x0  }
0x14: {  	s2 =	sld [smem:$0x3F98];
	s0 =	simm.s32 @p1 $0x1  }
0x15: {  	[smem:$0x3FB5] =	sst s0;
	s0 =	simm.s32 @!p2 $0x0  }
0x16: {  	s3 =	sld [smem:$0x3FDB];
	s0 =	simm.s32 @p2 $0x1  }
0x17: {  	s4 =	simm.s32 $0x1BF5;
	[smem:$0x3FB7] =	sst s0  }
0x18: {  	s0 =	sld [smem:$0x3F9A];
	_ =	swait.ge [sflag:s4], $0x0  }
0x19: {  	s7 =	sld [smem:$0x3F9B]  }
0x1a: {  	s8 =	sadd.s32 $0xFFFFE003, lr  }
0x1b: {  	s9 =	sadd.s32 $0xFFFFFEF7, lr;
	s5 =	simm.s32 $0xFFFFFFFF;
	p2 =	slt.u32 s8, $0xFFFFF086  }
0x1c: {  	p1 =	slt.u32 s9, $0xF7A;
	s5 =	simm.s32 @!p2 $0x0  }
0x1d: {  	s5 =	simm.s32 @p1 $0x1;
	p0 =	seq.s32 s7, s2  }
0x1e: {  	s7 =	smul.u32 @!p0 $0xF7A, s2;
	p2 =	seq.s32 @!p0 s5, $0x0  }
0x1f: {  	s9 =	smul.u32 $0xF7A, s1;
	s8 =	simm.s32 @!p0 $0x1BF5;
	p2 =	por !p2, p0  }
0x20: {  	[sflag:s8] =	ssyncset.s32 @!p0 $0xFFFFF086;
	s6 =	sadd.s32 @!p0 s3, s7;
	s7 =	simm.s32 @!p0 $0x108  }
0x21: {  	s3 =	sadd.s32 s3, s9;
	s6 =	sadd.s32 @!p0 $0x88, s6;
	s7 =	simm.s32 @p2 $0x1082  }
0x22: {  	[simem:s7], [sflag:s8] =	dma.local @!p0 [hbm:s6], $0xF7A  }
0x23: {  	s9 =	sor.u32 $0xD0000000, s2;
	s6 =	simm.s32 $0x108;
	_ =	swait.ge @!p0 [sflag:s8], $0x0  }
0x24: {  	s3 =	sadd.s32 $0x88, s3;
	s6 =	simm.s32 @!p1 $0x1082;
	[sflag:s4] =	ssyncset.s32 $0xFFFFF086  }
0x25: {  	[simem:s6], [sflag:s4] =	dma.local [hbm:s3], $0xF7A  }
0x26: {  	[smem:$0x3F9B] =	sst s1;
	(tag) =	ssettag s2;
	_ =	strace s9  }
0x27: {  	s1 =	sld [smem:$0x3FAB]  }
0x28: {  	s2 =	sld [smem:$0x3FAC]  }
0x29: {  	s4 =	sld [smem:$0x3FAE]  }
0x2a: {  	p0 =	seq.s32 s5, $0x0;
	s5 =	sld [smem:$0x3FAF]  }
0x2b: {  	s6 =	sld [smem:$0x3FB0]  }
0x2c: {  	s7 =	sld [smem:$0x3FB1]  }
0x2d: {  	s3 =	simm.s32 $0x108;
	s8 =	sld [smem:$0x3FB2]  }
0x2e: {  	s3 =	simm.s32 @!p0 $0x1082;
	s9 =	sld [smem:$0x3FB3]  }
0x2f: {  	lr =	sadd.s32 s0, s3;
	s0 =	sld [smem:$0x3FAA]  }
0x30: {  	s3 =	sld [smem:$0x3FAD]  }
0x31: {  	[smem:$0x3FB6] =	sst s10  }
0x32: {  	s10 =	sld [smem:$0x3FB4];
	_ =	sdelay $0x3  }
0x33: {  	p0 =	seq.s32 s10, $0x1;
	s10 =	sld [smem:$0x3FB6];
	_ =	sdelay $0x3  }
0x34: {  	[smem:$0x3FB6] =	sst s10  }
0x35: {  	s10 =	sld [smem:$0x3FB5];
	_ =	sdelay $0x3  }
0x36: {  	p1 =	seq.s32 s10, $0x1;
	s10 =	sld [smem:$0x3FB6];
	_ =	sdelay $0x3  }
0x37: {  	[smem:$0x3FB6] =	sst s10  }
0x38: {  	s10 =	sld [smem:$0x3FB7]  }
0x39: {  	_ = 	snop;
	(pc) =	sbr.ind lr, $3  }
0x3a: {  	_ = 	snop  }
0x3b: {  	_ = 	snop  }
0x3c: {  	p2 =	seq.s32 s10, $0x1;
	s10 =	sld [smem:$0x3FB6]  }
0x3d: {  	_ =	shalt  }
0x3e: {  	_ =	shalt  }
0x3f: {  	_ =	shalt  }
0x40: {  	_ =	shalt  }
0x41: {  	_ =	shalt  }
0x42: {  	_ =	shalt  }
0x43: {  	_ =	shalt  }
0x44: {  	_ =	shalt  }
0x45: {  	_ =	shalt  }
0x46: {  	_ =	shalt  }
0x47: {  	_ =	shalt  }
0x48: {  	_ =	shalt  }
0x49: {  	_ =	shalt  }
0x4a: {  	_ =	shalt  }
0x4b: {  	_ =	shalt  }
0x4c: {  	_ =	shalt  }
0x4d: {  	_ =	shalt  }
0x4e: {  	_ =	shalt  }
0x4f: {  	_ =	shalt  }
0x50: {  	_ =	shalt  }
0x51: {  	_ =	shalt  }
0x52: {  	_ =	shalt  }
0x53: {  	_ =	shalt  }
0x54: {  	_ =	shalt  }
0x55: {  	_ =	shalt  }
0x56: {  	_ =	shalt  }
0x57: {  	_ =	shalt  }
0x58: {  	_ =	shalt  }
0x59: {  	_ =	shalt  }
0x5a: {  	_ =	shalt  }
0x5b: {  	_ =	shalt  }
0x5c: {  	_ =	shalt  }
0x5d: {  	_ =	shalt  }
0x5e: {  	_ =	shalt  }
0x5f: {  	_ =	shalt  }
0x60: {  	_ =	shalt  }
0x61: {  	_ =	shalt  }
0x62: {  	_ =	shalt  }
0x63: {  	_ =	shalt  }
0x64: {  	_ =	shalt  }
0x65: {  	_ =	shalt  }
0x66: {  	_ =	shalt  }
0x67: {  	_ =	shalt  }
0x68: {  	_ =	shalt  }
0x69: {  	_ =	shalt  }
0x6a: {  	_ =	shalt  }
0x6b: {  	_ =	shalt  }
0x6c: {  	_ =	shalt  }
0x6d: {  	_ =	shalt  }
0x6e: {  	_ =	shalt  }
0x6f: {  	_ =	shalt  }
0x70: {  	_ =	shalt  }
0x71: {  	_ =	shalt  }
0x72: {  	_ =	shalt  }
0x73: {  	_ =	shalt  }
0x74: {  	_ =	shalt  }
0x75: {  	_ =	shalt  }
0x76: {  	_ =	shalt  }
0x77: {  	_ =	shalt  }
0x78: {  	_ =	shalt  }
0x79: {  	_ =	shalt  }
0x7a: {  	_ =	shalt  }
0x7b: {  	_ =	shalt  }
0x7c: {  	_ =	shalt  }
0x7d: {  	_ =	shalt  }
0x7e: {  	_ =	shalt  }
0x7f: {  	_ =	shalt  }
0x80: {  	_ =	shalt  }
0x81: {  	_ =	shalt  }
0x82: {  	_ =	shalt  }
0x83: {  	_ =	shalt  }
0x84: {  	_ =	shalt  }
0x85: {  	_ =	shalt  }
0x86: {  	_ =	shalt  }
0x87: {  	_ =	shalt  }
.Lfunc_end0:
.L_simem_size_0:
called_computation.2_lowered:
.L_overlay_start_0:
0x88: {  	s2 =	sld [smem:$0x3FD9]  }
0x89: {  	s3 =	sld [smem:$0x3FFE];
	_ =	sdelay $0x1  }
0x8a: {  	s1 =	srdreg.scid  }
0x8b: {  	s0 =	sand.u32 $0x1, s1  }
0x8c: {  	s16 =	sshll.u32 s0, $0xA;
	s2 =	sadd.s32 s3, s2  }
0x8d: {  	s2 =	sadd.s32 s2, s16  }
0x8e: {  	[smem:$0x3FC2] =	sst s2  }
0x8f: {  	_ = 	snop  }
0x90: {  	(tm) =	ssettm $0x1  }
0x91: {  	s17 =	sld [smem:$0x3FFB];
	_ =	sdelay $0x3  }
0x92: {  	_ =	strace s17  }
0x93: {  	s2 =	sld [smem:$0x3FFC];
	_ =	sdelay $0x3  }
0x94: {  	_ =	strace s2  }
0x95: {  	s2 =	sld [smem:$0x3FFD];
	_ =	sdelay $0x3  }
0x96: {  	_ =	strace s2  }
0x97: {  	_ =	strace $0x8FFFFFFF  }
0x98: {  	s18 =	sld [smem:$0x3FDB];
	_ =	sdelay $0x1  }
0x99: {  	s19 =	simm.s32 $_scs_section_size  }
0x9a: {  	s4 =	simm.s32 $_size__tile_overlayer_lowered;
	s5 =	simm.s32 $_tile_overlayer_lowered  }
0x9b: {  	s22 =	simm.s32 $0x1BFF;
	s21 =	sshll.u32 s5, $0x1;
	s2 =	sadd.s32 s19, s18  }
0x9c: {  	s6 =	simm.s32 $0x0;
	s20 =	sshll.u32 s4, $0x1;
	s4 =	sadd.s32 s21, s2  }
0x9d: {  	[timem:s6], [sflag:s22] =	dma.local [hbm:s4], s20  }
0x9e: {  	_ =	swait.ge [sflag:s22], s20  }
0x9f: {  	s3 =	ssub.s32 $0x0, s20;
	[sflag:s22] =	ssyncset.done $0x0  }
0xa0: {  	[sflag:s22] =	ssyncadd.s32 s3;
	_ =	sdelay $0x1  }
0xa1: {  	s23 =	simm.s32 $0x1B8B  }
0xa2: {  	_ =	swait.ge [sflag:s23], $0x1  }
0xa3: {  	[sflag:s23] =	ssyncset.done $0x0  }
0xa4: {  	s25 =	simm.s32 $0x1B8E;
	s24 =	sld [smem:$0x3FFE];
	[sflag:s23] =	ssyncadd.s32 $0xFFFFFFFF  }
0xa5: {  	s26 =	simm.s32 $execute0_lowered;
	[smem:$0x3FD2] =	sst s25  }
0xa6: {  	s4 =	sshll.u32 s26, $0x1;
	_ =	strace $0x8000004C;
	[dreg:$0x1] =	wrdreg $0xFFFFFFFF  }
0xa7: {  	s28 =	simm.s32 $_size_execute0_lowered;
	s2 =	sadd.s32 s2, s4;
	[dreg:$0x0] =	wrdreg $0x0  }
0xa8: {  	s4 =	sshll.u32 s28, $0x1;
	[dreg:$0x2] =	wrdreg s2  }
0xa9: {  	[dreg:$0x3] =	wrdreg s4  }
0xaa: {  	[dreg:$0x4] =	wrdreg $0xC0  }
0xab: {  	_ =	task [dreg:s6], $0x5FFFF  }
0xac: {  	[dreg:$0x1] =	wrdreg $0xFFFFFFFF  }
0xad: {  	[dreg:$0x0] =	wrdreg $0x60  }
0xae: {  	[dreg:$0x2] =	wrdreg s24  }
0xaf: {  	[dreg:$0x3] =	wrdreg $0x98000  }
0xb0: {  	[dreg:$0x4] =	wrdreg $0x70000  }
0xb1: {  	[dreg:$0x5] =	wrdreg $0x9  }
0xb2: {  	_ =	task.clear_ibuf [dreg:s6], $0x6FFFF;
	_ =	strace $0x9000004C  }
0xb3: {  	s29 =	simm.s32 $0x9;
	_ =	strace $0x8000004E  }
0xb4: {  	_ =	swait.ge [sflag:s29], $0x1  }
0xb5: {  	[sflag:s29] =	ssyncadd.s32 $0xFFFFFFFF  }
0xb6: {  	_ =	strace $0x9000004E  }
0xb7: {  	_ =	sfence  }
0xb8: {  	s30 =	sld [smem:$0x0];
	_ =	sdelay $0x2  }
0xb9: {  	s31 =	sshll.u32 s1, $0xD;
	s1 =	sshrl.u32 s1, $0x2  }
0xba: {  	s3 =	sand.u32 $0x4000, s31;
	s1 =	sadd.s32 s1, s30  }
0xbb: {  	s0 =	sor.u32 s3, s0;
	s1 =	sshll.u32 s1, $0x11  }
0xbc: {  	s0 =	sor.u32 s1, s0  }
0xbd: {  	s0 =	sadd.s32 $0x8F2B, s0  }
0xbe: {  	[sflag:s0] =	ssyncadd.remote.s32 $0x1  }
0xbf: {  	_ =	sfence.sel $0xFFFF  }
0xc0: {  	[dreg:$0x0] =	wrdreg $0xFFFFFFFF;
	(pc) =	sbr.abs _section_cstart, $3  }
0xc1: {  	[dreg:$0x1] =	wrdreg $0xFFFFFFFF  }
0xc2: {  	_ =	task.clear_ibuf [dreg:s6], $0x2FFFF;
	_ =	strace $0x9FFFFFFF  }
0xc3: {  	(tm) =	ssettm $0x7FFFFFFF  }
tec
execute0_lowered:
.L_overlay_start_1:
0x0: {  	(tag) =	ssettag $0x1  }
0x1: {  	s1 =	rddreg [dreg:$0x0]  }
0x2: {  	s0 =	srdreg.scid;
	s2 =	rddreg [dreg:$0x1]  }
0x3: {  	s18 =	stileid.u32;
	s3 =	rddreg [dreg:$0x2]  }
0x4: {  	s15 =	simm.s32 $0x6800;
	s16 =	simm.s32 $0x3;
	s20 =	simm.s32 $0x80  }
0x5: {  	s21 =	simm.s32 $0x5000;
	s28 =	simm.s32 $0x1;
	s29 =	simm.s32 $0x2  }
0x6: {  	s30 =	simm.s32 $0x4E00;
	s31 =	simm.s32 $0x4E80;
	s10 =	smul.u32 $0x2800, s18  }
0x7: {  	s0 =	sand.u32 $0x1, s0;
	s22 =	smul.u32 $0xA000, s18;
	s26 =	sshll.u32 s18, $0x6  }
0x8: {  	s4 =	sshll.u32 s0, $0x4;
	s7 =	smul.u32 $0x28000, s0;
	s0 =	ssub.s32 $0x2, s0  }
0x9: {  	s5 =	sor.u32 s18, s4;
	s4 =	simm.s32 $0x0;
	s6 =	sshrl.u32 s10, $0x3  }
0xa: {  	s24 =	sshrl.u32 s0, $0x1;
	s17 =	sadd.s32 s10, s3;
	s25 =	sadd.s32 s10, s2  }
0xb: {  	s18 =	sor.u32 $0x1C03, s26;
	s5 =	smul.u32 $0x500, s5;
	[smem:$0x7FF] =	sst s4  }
0xc: {  	s8 =	sadd.s32 s6, s1;
	s23 =	sadd.s32 s10, s7;
	s6 =	sshrl.u32 s22, $0x2  }
0xd: {  	s0 =	ssub.s32 s0, s24;
	s19 =	sshrl.u32 s17, $0x3;
	s22 =	simm.s32 $0x5800  }
0xe: {  	s24 =	simm.s32 $0x6000;
	s25 =	sshrl.u32 s25, $0x3;
	_ =	strace $0x8000004D  }
0xf: {  	s8 =	sadd.s32 $0x2000, s8;
	s9 =	sadd.s32 s5, s1;
	s5 =	sshrl.u32 s23, $0x3  }
0x10: {  	s10 =	smax.u32 s0, $0x1;
	s0 =	simm.s32 $0x4F80;
	s1 =	sadd.s32 s5, s1  }
0x11: {  	s5 =	sadd.s32 s6, s2;
	s6 =	sadd.s32 $0x16000, s9;
	s7 =	sadd.s32 $0xC000, s9  }
0x12: {  	s9 =	sadd.s32 $0x48000, s1;
	s11 =	sadd.s32 $0x800, s5;
	s12 =	sadd.s32 $0x1000, s5  }
0x13: {  	v0 =	vimm.f32 $0.0e+00;
	s13 =	sadd.s32 $0x1800, s5;
	s14 =	sadd.s32 $0x2000, s5;
	s1 =	simm.s32 $0x4F00  }
.LBB2_1:
0x14: {  	s17 =	simm.s32 $0x40;
	s23 =	simm.s32 $0x0  }
.LBB2_2:
0x15: {  	p0 =	sne.s32 s17, $0x1FC0;
	[tilespmem:s23+$0x6800] =	vst v0;
	s23 =	smov.u32 s17;
	s17 =	sadd.s32 $0x40, s17  }
.Ltmp0:
0x16: {  	(pc) =	sbr.rel @p0 .LBB2_2-.Ltmp0, $2  }
0x17: {  	_ =	sdelay $0x2  }
0x18: {  	s23 =	sshra.s32 s23, $0x2  }
0x19: {  	[tilespmem:s23+$0x6800] =	vst v0  }
0x1a: {  	[spmem:s5] =	stream.linear.scatter [tilespmem:s15], [sflag:$0x3], $0x800, $0x38;
	[tilespmem:$0xC000] =	vst v63  }
0x1b: {  	_ =	swait.ge [sflag:s16], $0x800  }
0x1c: {  	[sflag:s16] =	ssyncset.done $0x0  }
0x1d: {  	[sflag:s16] =	ssyncadd.s32 $0xFFFFF800  }
0x1e: {  	[spmem:s11] =	stream.linear.scatter [tilespmem:s15], [sflag:$0x3], $0x800, $0x38;
	[tilespmem:$0xC000] =	vst v63  }
0x1f: {  	_ =	swait.ge [sflag:s16], $0x800  }
0x20: {  	[sflag:s16] =	ssyncset.done $0x0  }
0x21: {  	[sflag:s16] =	ssyncadd.s32 $0xFFFFF800  }
0x22: {  	[spmem:s12] =	stream.linear.scatter [tilespmem:s15], [sflag:$0x3], $0x800, $0x38;
	[tilespmem:$0xC000] =	vst v63  }
0x23: {  	_ =	swait.ge [sflag:s16], $0x800  }
0x24: {  	[sflag:s16] =	ssyncset.done $0x0  }
0x25: {  	[sflag:s16] =	ssyncadd.s32 $0xFFFFF800  }
0x26: {  	[spmem:s13] =	stream.linear.scatter [tilespmem:s15], [sflag:$0x3], $0x800, $0x38;
	[tilespmem:$0xC000] =	vst v63  }
0x27: {  	_ =	swait.ge [sflag:s16], $0x800  }
0x28: {  	[sflag:s16] =	ssyncset.done $0x0  }
0x29: {  	[sflag:s16] =	ssyncadd.s32 $0xFFFFF800  }
0x2a: {  	[spmem:s14] =	stream.linear.scatter [tilespmem:s15], [sflag:$0x3], $0x800, $0x38;
	[tilespmem:$0xC000] =	vst v63  }
0x2b: {  	_ =	swait.ge [sflag:s16], $0x800  }
0x2c: {  	[sflag:s16] =	ssyncset.done $0x0  }
0x2d: {  	s17 =	simm.s32 $0x0;
	[sflag:s16] =	ssyncadd.s32 $0xFFFFF800  }
0x2e: {  	[tilespmem:s17], [sflag:$0x3] =	stream.linear.gather [hbm4b:s6+s17], $0x2800, $0x38;
	[tilespmem:$0xC000] =	vst v63  }
0x2f: {  	_ =	swait.ge [sflag:s16], $0x2800  }
0x30: {  	[sflag:s16] =	ssyncset.done $0x0  }
0x31: {  	s26 =	simm.s32 $0x2800;
	[sflag:s16] =	ssyncadd.s32 $0xFFFFD800  }
0x32: {  	[tilespmem:s26], [sflag:$0x3] =	stream.linear.gather [hbm4b:s7+s17], $0x2800, $0x38;
	[tilespmem:$0xC000] =	vst v63  }
0x33: {  	_ =	swait.ge [sflag:s16], $0x2800  }
0x34: {  	[sflag:s16] =	ssyncset.done $0x0  }
0x35: {  	[sflag:s16] =	ssyncadd.s32 $0xFFFFD800  }
0x36: {  	[spmem:s19], [sflag:s18] =	dma.local [hbm:s8], $0x500  }
0x37: {  	_ =	swait.ge [sflag:s16], $0x500  }
0x38: {  	[sflag:s16] =	ssyncset.done $0x0  }
0x39: {  	[sflag:s16] =	ssyncadd.s32 $0xFFFFFB00  }
0x3a: {  	[bflag:$0x0] =	sbarrier.arrive $0xFFFF  }
0x3b: {  	[tilespmem:s21], [sflag:$0x1] =	stream.indirect.gather [spmem:s3], $0x10, s17, s20, $0xb8;
	[tilespmem:$0xC000] =	vst v63  }
0x3c: {  	_ = 	snop  }
0x3d: {  	[tilespmem:s22], [sflag:$0x1] =	stream.indirect.gather [spmem:s3], $0x10, s20, s20, $0xb8;
	[tilespmem:$0xC000] =	vst v63  }
0x3e: {  	s26 =	simm.s32 $0x100  }
0x3f: {  	[tilespmem:s24], [sflag:$0x1] =	stream.indirect.gather [spmem:s3], $0x10, s26, s20, $0xb8;
	[tilespmem:$0xC000] =	vst v63  }
0x40: {  	s23 =	simm.s32 $0x180  }
0x41: {  	[tilespmem:s15], [sflag:$0x1] =	stream.indirect.gather [spmem:s3], $0x10, s23, s20, $0xb8;
	[tilespmem:$0xC000] =	vst v63  }
0x42: {  	_ =	swait.ge [sflag:s28], $0x800  }
0x43: {  	[sflag:s28] =	ssyncset.done $0x0  }
0x44: {  	s26 =	simm.s32 $0x2800;
	[sflag:s28] =	ssyncadd.s32 $0xFFFFF800  }
0x45: {  	[spmem:s2] =	stream.indirect.scatter.add.f32 [tilespmem:s21], [sflag:$0x2], $0x10, s26, s20, $0xb8;
	[tilespmem:$0xC000] =	vst v63  }
0x46: {  	_ =	swait.ge [sflag:s28], $0x800  }
0x47: {  	[sflag:s28] =	ssyncset.done $0x0  }
0x48: {  	s23 =	simm.s32 $0x2880;
	[sflag:s28] =	ssyncadd.s32 $0xFFFFF800  }
0x49: {  	[spmem:s2] =	stream.indirect.scatter.add.f32 [tilespmem:s22], [sflag:$0x2], $0x10, s23, s20, $0xb8;
	[tilespmem:$0xC000] =	vst v63  }
0x4a: {  	_ =	swait.ge [sflag:s28], $0x800  }
0x4b: {  	[sflag:s28] =	ssyncset.done $0x0  }
0x4c: {  	s26 =	simm.s32 $0x2900;
	[sflag:s28] =	ssyncadd.s32 $0xFFFFF800  }
0x4d: {  	[spmem:s2] =	stream.indirect.scatter.add.f32 [tilespmem:s24], [sflag:$0x2], $0x10, s26, s20, $0xb8;
	[tilespmem:$0xC000] =	vst v63  }
0x4e: {  	_ =	swait.ge [sflag:s28], $0x800  }
0x4f: {  	[sflag:s28] =	ssyncset.done $0x0  }
0x50: {  	s23 =	simm.s32 $0x2980;
	[sflag:s28] =	ssyncadd.s32 $0xFFFFF800  }
0x51: {  	[spmem:s2] =	stream.indirect.scatter.add.f32 [tilespmem:s15], [sflag:$0x2], $0x10, s23, s20, $0xb8;
	[tilespmem:$0xC000] =	vst v63  }
0x52: {  	_ =	swait.ge [sflag:s29], $0x800  }
0x53: {  	[sflag:s29] =	ssyncset.done $0x0  }
0x54: {  	s26 =	simm.s32 $0x200;
	[sflag:s29] =	ssyncadd.s32 $0xFFFFF800  }
0x55: {  	[tilespmem:s21], [sflag:$0x1] =	stream.indirect.gather [spmem:s3], $0x10, s26, s20, $0xb8;
	[tilespmem:$0xC000] =	vst v63  }
0x56: {  	_ =	swait.ge [sflag:s29], $0x800  }
0x57: {  	[sflag:s29] =	ssyncset.done $0x0  }
0x58: {  	s23 =	simm.s32 $0x280;
	[sflag:s29] =	ssyncadd.s32 $0xFFFFF800  }
0x59: {  	[tilespmem:s22], [sflag:$0x1] =	stream.indirect.gather [spmem:s3], $0x10, s23, s20, $0xb8;
	[tilespmem:$0xC000] =	vst v63  }
0x5a: {  	_ =	swait.ge [sflag:s29], $0x800  }
0x5b: {  	[sflag:s29] =	ssyncset.done $0x0  }
0x5c: {  	s26 =	simm.s32 $0x300;
	[sflag:s29] =	ssyncadd.s32 $0xFFFFF800  }
0x5d: {  	[tilespmem:s24], [sflag:$0x1] =	stream.indirect.gather [spmem:s3], $0x10, s26, s20, $0xb8;
	[tilespmem:$0xC000] =	vst v63  }
0x5e: {  	_ =	swait.ge [sflag:s29], $0x800  }
0x5f: {  	[sflag:s29] =	ssyncset.done $0x0  }
0x60: {  	s17 =	simm.s32 $0x800;
	s23 =	simm.s32 $0x380;
	[sflag:s29] =	ssyncadd.s32 $0xFFFFF800  }
.LBB2_4:
0x61: {  	[tilespmem:s15], [sflag:$0x1] =	stream.indirect.gather [spmem:s3], $0x10, s23, s20, $0xb8;
	[tilespmem:$0xC000] =	vst v63  }
0x62: {  	s23 =	smov.u32 s17  }
0x63: {  	p0 =	sne.s32 s17, $0x9000;
	s17 =	sadd.s32 $0x800, s17;
	_ =	swait.ge [sflag:s28], $0x800  }
0x64: {  	s23 =	sshra.s32 s23, $0x2;
	[sflag:s28] =	ssyncset.done $0x0  }
0x65: {  	s26 =	sadd.s32 $0x2800, s23;
	[sflag:s28] =	ssyncadd.s32 $0xFFFFF800  }
0x66: {  	[spmem:s2] =	stream.indirect.scatter.add.f32 [tilespmem:s21], [sflag:$0x2], $0x10, s26, s20, $0xb8;
	[tilespmem:$0xC000] =	vst v63  }
0x67: {  	_ =	swait.ge [sflag:s28], $0x800  }
0x68: {  	[sflag:s28] =	ssyncset.done $0x0  }
0x69: {  	s26 =	sadd.s32 $0x2880, s23;
	[sflag:s28] =	ssyncadd.s32 $0xFFFFF800  }
0x6a: {  	[spmem:s2] =	stream.indirect.scatter.add.f32 [tilespmem:s22], [sflag:$0x2], $0x10, s26, s20, $0xb8;
	[tilespmem:$0xC000] =	vst v63  }
0x6b: {  	_ =	swait.ge [sflag:s28], $0x800  }
0x6c: {  	[sflag:s28] =	ssyncset.done $0x0  }
0x6d: {  	s26 =	sadd.s32 $0x2900, s23;
	[sflag:s28] =	ssyncadd.s32 $0xFFFFF800  }
0x6e: {  	[spmem:s2] =	stream.indirect.scatter.add.f32 [tilespmem:s24], [sflag:$0x2], $0x10, s26, s20, $0xb8;
	[tilespmem:$0xC000] =	vst v63  }
0x6f: {  	_ =	swait.ge [sflag:s28], $0x800  }
0x70: {  	[sflag:s28] =	ssyncset.done $0x0  }
0x71: {  	s26 =	sadd.s32 $0x2980, s23;
	[sflag:s28] =	ssyncadd.s32 $0xFFFFF800  }
0x72: {  	[spmem:s2] =	stream.indirect.scatter.add.f32 [tilespmem:s15], [sflag:$0x2], $0x10, s26, s20, $0xb8;
	[tilespmem:$0xC000] =	vst v63  }
0x73: {  	_ =	swait.ge [sflag:s29], $0x800  }
0x74: {  	[sflag:s29] =	ssyncset.done $0x0  }
0x75: {  	s26 =	sadd.s32 $0x200, s23;
	[sflag:s29] =	ssyncadd.s32 $0xFFFFF800  }
0x76: {  	[tilespmem:s21], [sflag:$0x1] =	stream.indirect.gather [spmem:s3], $0x10, s26, s20, $0xb8;
	[tilespmem:$0xC000] =	vst v63  }
0x77: {  	_ =	swait.ge [sflag:s29], $0x800  }
0x78: {  	[sflag:s29] =	ssyncset.done $0x0  }
0x79: {  	s26 =	sadd.s32 $0x280, s23;
	[sflag:s29] =	ssyncadd.s32 $0xFFFFF800  }
0x7a: {  	[tilespmem:s22], [sflag:$0x1] =	stream.indirect.gather [spmem:s3], $0x10, s26, s20, $0xb8;
	[tilespmem:$0xC000] =	vst v63  }
0x7b: {  	_ =	swait.ge [sflag:s29], $0x800  }
0x7c: {  	[sflag:s29] =	ssyncset.done $0x0  }
.Ltmp1:
0x7d: {  	s26 =	sadd.s32 $0x300, s23;
	[sflag:s29] =	ssyncadd.s32 $0xFFFFF800;
	(pc) =	sbr.rel @p0 .LBB2_4-.Ltmp1, $4  }
0x7e: {  	[tilespmem:s24], [sflag:$0x1] =	stream.indirect.gather [spmem:s3], $0x10, s26, s20, $0xb8;
	[tilespmem:$0xC000] =	vst v63  }
0x7f: {  	_ =	swait.ge [sflag:s29], $0x800  }
0x80: {  	[sflag:s29] =	ssyncset.done $0x0  }
0x81: {  	s23 =	sadd.s32 $0x380, s23;
	[sflag:s29] =	ssyncadd.s32 $0xFFFFF800  }
0x82: {  	[tilespmem:s15], [sflag:$0x1] =	stream.indirect.gather [spmem:s3], $0x10, s23, s20, $0xb8;
	[tilespmem:$0xC000] =	vst v63  }
0x83: {  	_ =	swait.ge [sflag:s28], $0x800  }
0x84: {  	[sflag:s28] =	ssyncset.done $0x0  }
0x85: {  	[sflag:s28] =	ssyncadd.s32 $0xFFFFF800  }
0x86: {  	[spmem:s2] =	stream.indirect.scatter.add.f32 [tilespmem:s21], [sflag:$0x2], $0x10, s30, s20, $0xb8;
	[tilespmem:$0xC000] =	vst v63  }
0x87: {  	_ =	swait.ge [sflag:s28], $0x800  }
0x88: {  	[sflag:s28] =	ssyncset.done $0x0  }
0x89: {  	[sflag:s28] =	ssyncadd.s32 $0xFFFFF800  }
0x8a: {  	[spmem:s2] =	stream.indirect.scatter.add.f32 [tilespmem:s22], [sflag:$0x2], $0x10, s31, s20, $0xb8;
	[tilespmem:$0xC000] =	vst v63  }
0x8b: {  	_ =	swait.ge [sflag:s28], $0x800  }
0x8c: {  	[sflag:s28] =	ssyncset.done $0x0  }
0x8d: {  	[sflag:s28] =	ssyncadd.s32 $0xFFFFF800  }
0x8e: {  	[spmem:s2] =	stream.indirect.scatter.add.f32 [tilespmem:s24], [sflag:$0x2], $0x10, s1, s20, $0xb8;
	[tilespmem:$0xC000] =	vst v63  }
0x8f: {  	_ =	swait.ge [sflag:s28], $0x800  }
0x90: {  	[sflag:s28] =	ssyncset.done $0x0  }
0x91: {  	[sflag:s28] =	ssyncadd.s32 $0xFFFFF800  }
0x92: {  	[spmem:s2] =	stream.indirect.scatter.add.f32 [tilespmem:s15], [sflag:$0x2], $0x10, s0, s20, $0xb8;
	[tilespmem:$0xC000] =	vst v63  }
0x93: {  	_ =	swait.ge [sflag:s29], $0x800  }
0x94: {  	[sflag:s29] =	ssyncset.done $0x0  }
0x95: {  	[sflag:s29] =	ssyncadd.s32 $0xFFFFF800  }
0x96: {  	_ =	swait.ge [sflag:s29], $0x800  }
0x97: {  	[sflag:s29] =	ssyncset.done $0x0  }
0x98: {  	[sflag:s29] =	ssyncadd.s32 $0xFFFFF800  }
0x99: {  	_ =	swait.ge [sflag:s29], $0x800  }
0x9a: {  	[sflag:s29] =	ssyncset.done $0x0  }
0x9b: {  	[sflag:s29] =	ssyncadd.s32 $0xFFFFF800  }
0x9c: {  	_ =	swait.ge [sflag:s29], $0x800  }
0x9d: {  	s4 =	sadd.s32 $0x1, s4;
	[sflag:s29] =	ssyncset.done $0x0  }
0x9e: {  	p0 =	sne.s32 s4, s10;
	[sflag:s29] =	ssyncadd.s32 $0xFFFFF800  }
.Ltmp2:
0x9f: {  	[bflag:$0x0] =	sbarrier.arrive $0xFFFF;
	(pc) =	sbr.rel @p0 .LBB2_1-.Ltmp2, $4  }
0xa0: {  	[hbm:s9], [sflag:s18] =	dma.local [spmem:s25], $0x500  }
0xa1: {  	_ =	swait.ge [sflag:s16], $0x500  }
0xa2: {  	[sflag:s16] =	ssyncset.done $0x0  }
0xa3: {  	[sflag:s16] =	ssyncadd.s32 $0xFFFFFB00  }
0xa4: {  	_ =	sfence.sel $0x180000  }
0xa5: {  	[bflag:$0x0] =	sbarrier.arrive $0xFFFF  }
0xa6: {  	_ =	strace $0x9000004D  }
0xa7: {  	s0 =	stileid.u32;
	[bflag:$0x2] =	sbarrier.arrive $0xFFFF  }
0xa8: {  	p0 =	sne.s32 s0, $0x0;
	s0 =	rddreg [dreg:$0x3]  }
0xa9: {  	s0 =	sadd.s32 @!p0 $0x100000, s0  }
0xaa: {  	[sflag:s0] =	ssyncadd.tile.s32 @!p0 $0x1;
	_ =	shalt  }
.Lfunc_end2:
_tile_overlayer_lowered:
.L_overlay_start_2:
0xab: {  	(tag) =	ssettag $0x2  }
0xac: {  	s0 =	rddreg [dreg:$0x0];
	s2 =	stileid.u32  }
0xad: {  	s1 =	rddreg [dreg:$0x1];
	p0 =	sne.s32 s2, $0x0  }
0xae: {  	s3 =	rddreg [dreg:$0x2];
	[bflag:$0x3] =	sbarrier.arrive $0xFFFF;
	s2 =	simm.s32 @!p0 $0x1C03  }
0xaf: {  	[timem:s3], [sflag:s2] =	dma.local @!p0 [hbm:s0], s1  }
0xb0: {  	s0 =	simm.s32 @!p0 $0x3  }
0xb1: {  	_ =	swait.ge @!p0 [sflag:s0], s1  }
0xb2: {  	s1 =	ssub.s32 @!p0 $0x0, s1;
	[sflag:s0] =	ssyncset.done @!p0 $0x0  }
0xb3: {  	[sflag:s0] =	ssyncadd.s32 @!p0 s1  }
0xb4: {  	[bflag:$0x3] =	sbarrier.arrive $0xFFFF  }
0xb5: {  	_ =	shalt  }

// kernel: kernel.8.cloned.1.call-start
scs
__scs_entry_jumppad:
0x0: {  	(pc) =	sbr.rel $0x88, $3  }
0x1: {  	(tag) =	ssettag $0x0;
	lr =	simm.s32 $0x1  }
0x2: {  	[smem:$0x3F9B] =	sst lr;
	_ =	strace $0xD0000000  }
0x3: {  	_ = 	snop  }
0x4: {  	_ = 	snop  }
0x5: {  	_ = 	snop  }
0x6: {  	_ = 	snop  }
0x7: {  	_ = 	snop  }
__scs_overlays_trampoline_lowered:
0x8: {  	[smem:$0x3FAA] =	sst s0  }
0x9: {  	[smem:$0x3FAB] =	sst s1  }
0xa: {  	[smem:$0x3FAC] =	sst s2  }
0xb: {  	[smem:$0x3FAD] =	sst s3  }
0xc: {  	[smem:$0x3FAE] =	sst s4  }
0xd: {  	[smem:$0x3FAF] =	sst s5  }
0xe: {  	[smem:$0x3FB0] =	sst s6  }
0xf: {  	[smem:$0x3FB1] =	sst s7  }
0x10: {  	[smem:$0x3FB2] =	sst s8  }
0x11: {  	[smem:$0x3FB3] =	sst s9;
	s0 =	simm.s32 @!p0 $0x0  }
0x12: {  	s1 =	sld [smem:$0x3F99];
	s0 =	simm.s32 @p0 $0x1  }
0x13: {  	[smem:$0x3FB4] =	sst s0;
	s0 =	simm.s32 @!p1 $0x0  }
0x14: {  	s2 =	sld [smem:$0x3F98];
	s0 =	simm.s32 @p1 $0x1  }
0x15: {  	[smem:$0x3FB5] =	sst s0;
	s0 =	simm.s32 @!p2 $0x0  }
0x16: {  	s3 =	sld [smem:$0x3FDB];
	s0 =	simm.s32 @p2 $0x1  }
0x17: {  	s4 =	simm.s32 $0x1BF5;
	[smem:$0x3FB7] =	sst s0  }
0x18: {  	s0 =	sld [smem:$0x3F9A];
	_ =	swait.ge [sflag:s4], $0x0  }
0x19: {  	s7 =	sld [smem:$0x3F9B]  }
0x1a: {  	s8 =	sadd.s32 $0xFFFFE003, lr  }
0x1b: {  	s9 =	sadd.s32 $0xFFFFFEF7, lr;
	s5 =	simm.s32 $0xFFFFFFFF;
	p2 =	slt.u32 s8, $0xFFFFF086  }
0x1c: {  	p1 =	slt.u32 s9, $0xF7A;
	s5 =	simm.s32 @!p2 $0x0  }
0x1d: {  	s5 =	simm.s32 @p1 $0x1;
	p0 =	seq.s32 s7, s2  }
0x1e: {  	s7 =	smul.u32 @!p0 $0xF7A, s2;
	p2 =	seq.s32 @!p0 s5, $0x0  }
0x1f: {  	s9 =	smul.u32 $0xF7A, s1;
	s8 =	simm.s32 @!p0 $0x1BF5;
	p2 =	por !p2, p0  }
0x20: {  	[sflag:s8] =	ssyncset.s32 @!p0 $0xFFFFF086;
	s6 =	sadd.s32 @!p0 s3, s7;
	s7 =	simm.s32 @!p0 $0x108  }
0x21: {  	s3 =	sadd.s32 s3, s9;
	s6 =	sadd.s32 @!p0 $0x88, s6;
	s7 =	simm.s32 @p2 $0x1082  }
0x22: {  	[simem:s7], [sflag:s8] =	dma.local @!p0 [hbm:s6], $0xF7A  }
0x23: {  	s9 =	sor.u32 $0xD0000000, s2;
	s6 =	simm.s32 $0x108;
	_ =	swait.ge @!p0 [sflag:s8], $0x0  }
0x24: {  	s3 =	sadd.s32 $0x88, s3;
	s6 =	simm.s32 @!p1 $0x1082;
	[sflag:s4] =	ssyncset.s32 $0xFFFFF086  }
0x25: {  	[simem:s6], [sflag:s4] =	dma.local [hbm:s3], $0xF7A  }
0x26: {  	[smem:$0x3F9B] =	sst s1;
	(tag) =	ssettag s2;
	_ =	strace s9  }
0x27: {  	s1 =	sld [smem:$0x3FAB]  }
0x28: {  	s2 =	sld [smem:$0x3FAC]  }
0x29: {  	s4 =	sld [smem:$0x3FAE]  }
0x2a: {  	p0 =	seq.s32 s5, $0x0;
	s5 =	sld [smem:$0x3FAF]  }
0x2b: {  	s6 =	sld [smem:$0x3FB0]  }
0x2c: {  	s7 =	sld [smem:$0x3FB1]  }
0x2d: {  	s3 =	simm.s32 $0x108;
	s8 =	sld [smem:$0x3FB2]  }
0x2e: {  	s3 =	simm.s32 @!p0 $0x1082;
	s9 =	sld [smem:$0x3FB3]  }
0x2f: {  	lr =	sadd.s32 s0, s3;
	s0 =	sld [smem:$0x3FAA]  }
0x30: {  	s3 =	sld [smem:$0x3FAD]  }
0x31: {  	[smem:$0x3FB6] =	sst s10  }
0x32: {  	s10 =	sld [smem:$0x3FB4];
	_ =	sdelay $0x3  }
0x33: {  	p0 =	seq.s32 s10, $0x1;
	s10 =	sld [smem:$0x3FB6];
	_ =	sdelay $0x3  }
0x34: {  	[smem:$0x3FB6] =	sst s10  }
0x35: {  	s10 =	sld [smem:$0x3FB5];
	_ =	sdelay $0x3  }
0x36: {  	p1 =	seq.s32 s10, $0x1;
	s10 =	sld [smem:$0x3FB6];
	_ =	sdelay $0x3  }
0x37: {  	[smem:$0x3FB6] =	sst s10  }
0x38: {  	s10 =	sld [smem:$0x3FB7]  }
0x39: {  	_ = 	snop;
	(pc) =	sbr.ind lr, $3  }
0x3a: {  	_ = 	snop  }
0x3b: {  	_ = 	snop  }
0x3c: {  	p2 =	seq.s32 s10, $0x1;
	s10 =	sld [smem:$0x3FB6]  }
0x3d: {  	_ =	shalt  }
0x3e: {  	_ =	shalt  }
0x3f: {  	_ =	shalt  }
0x40: {  	_ =	shalt  }
0x41: {  	_ =	shalt  }
0x42: {  	_ =	shalt  }
0x43: {  	_ =	shalt  }
0x44: {  	_ =	shalt  }
0x45: {  	_ =	shalt  }
0x46: {  	_ =	shalt  }
0x47: {  	_ =	shalt  }
0x48: {  	_ =	shalt  }
0x49: {  	_ =	shalt  }
0x4a: {  	_ =	shalt  }
0x4b: {  	_ =	shalt  }
0x4c: {  	_ =	shalt  }
0x4d: {  	_ =	shalt  }
0x4e: {  	_ =	shalt  }
0x4f: {  	_ =	shalt  }
0x50: {  	_ =	shalt  }
0x51: {  	_ =	shalt  }
0x52: {  	_ =	shalt  }
0x53: {  	_ =	shalt  }
0x54: {  	_ =	shalt  }
0x55: {  	_ =	shalt  }
0x56: {  	_ =	shalt  }
0x57: {  	_ =	shalt  }
0x58: {  	_ =	shalt  }
0x59: {  	_ =	shalt  }
0x5a: {  	_ =	shalt  }
0x5b: {  	_ =	shalt  }
0x5c: {  	_ =	shalt  }
0x5d: {  	_ =	shalt  }
0x5e: {  	_ =	shalt  }
0x5f: {  	_ =	shalt  }
0x60: {  	_ =	shalt  }
0x61: {  	_ =	shalt  }
0x62: {  	_ =	shalt  }
0x63: {  	_ =	shalt  }
0x64: {  	_ =	shalt  }
0x65: {  	_ =	shalt  }
0x66: {  	_ =	shalt  }
0x67: {  	_ =	shalt  }
0x68: {  	_ =	shalt  }
0x69: {  	_ =	shalt  }
0x6a: {  	_ =	shalt  }
0x6b: {  	_ =	shalt  }
0x6c: {  	_ =	shalt  }
0x6d: {  	_ =	shalt  }
0x6e: {  	_ =	shalt  }
0x6f: {  	_ =	shalt  }
0x70: {  	_ =	shalt  }
0x71: {  	_ =	shalt  }
0x72: {  	_ =	shalt  }
0x73: {  	_ =	shalt  }
0x74: {  	_ =	shalt  }
0x75: {  	_ =	shalt  }
0x76: {  	_ =	shalt  }
0x77: {  	_ =	shalt  }
0x78: {  	_ =	shalt  }
0x79: {  	_ =	shalt  }
0x7a: {  	_ =	shalt  }
0x7b: {  	_ =	shalt  }
0x7c: {  	_ =	shalt  }
0x7d: {  	_ =	shalt  }
0x7e: {  	_ =	shalt  }
0x7f: {  	_ =	shalt  }
0x80: {  	_ =	shalt  }
0x81: {  	_ =	shalt  }
0x82: {  	_ =	shalt  }
0x83: {  	_ =	shalt  }
0x84: {  	_ =	shalt  }
0x85: {  	_ =	shalt  }
0x86: {  	_ =	shalt  }
0x87: {  	_ =	shalt  }
.Lfunc_end0:
.L_simem_size_0:
called_computation_lowered:
.L_overlay_start_0:
0x88: {  	s2 =	sld [smem:$0x3FD9]  }
0x89: {  	s3 =	sld [smem:$0x3FFE];
	_ =	sdelay $0x1  }
0x8a: {  	s1 =	srdreg.scid  }
0x8b: {  	s0 =	sand.u32 $0x1, s1  }
0x8c: {  	s17 =	sshll.u32 s0, $0xA;
	s2 =	sadd.s32 s3, s2  }
0x8d: {  	s2 =	sadd.s32 s2, s17  }
0x8e: {  	[smem:$0x3FC2] =	sst s2  }
0x8f: {  	_ = 	snop  }
0x90: {  	s2 =	sld [smem:$0x3FD0];
	(tm) =	ssettm $0x1  }
0x91: {  	s18 =	sld [smem:$0x3FFB];
	_ =	sdelay $0x3  }
0x92: {  	_ =	strace s18  }
0x93: {  	s3 =	sld [smem:$0x3FFC];
	_ =	sdelay $0x3  }
0x94: {  	_ =	strace s3  }
0x95: {  	s3 =	sld [smem:$0x3FFD];
	_ =	sdelay $0x3  }
0x96: {  	_ =	strace s3  }
0x97: {  	_ =	strace $0x8FFFFFFF  }
0x98: {  	s19 =	sld [smem:$0x3FDB];
	_ =	sdelay $0x1  }
0x99: {  	s4 =	simm.s32 $_scs_section_size  }
0x9a: {  	s5 =	simm.s32 $_size__tile_overlayer_lowered;
	s6 =	simm.s32 $_tile_overlayer_lowered  }
0x9b: {  	s22 =	simm.s32 $0x1BFF;
	s21 =	sshll.u32 s6, $0x1;
	s3 =	sadd.s32 s4, s19  }
0x9c: {  	s7 =	simm.s32 $0x0;
	s20 =	sshll.u32 s5, $0x1;
	s5 =	sadd.s32 s21, s3  }
0x9d: {  	[timem:s7], [sflag:s22] =	dma.local [hbm:s5], s20  }
0x9e: {  	_ =	swait.ge [sflag:s22], s20  }
0x9f: {  	s4 =	ssub.s32 $0x0, s20;
	[sflag:s22] =	ssyncset.done $0x0  }
0xa0: {  	[sflag:s22] =	ssyncadd.s32 s4;
	_ =	sdelay $0x1  }
0xa1: {  	s23 =	simm.s32 $0x1B8B  }
0xa2: {  	_ =	swait.ge [sflag:s23], $0x1  }
0xa3: {  	[sflag:s23] =	ssyncset.done $0x0  }
0xa4: {  	s25 =	simm.s32 $0x1B8E;
	s24 =	sld [smem:$0x3FFE];
	[sflag:s23] =	ssyncadd.s32 $0xFFFFFFFF  }
0xa5: {  	s26 =	simm.s32 $execute0_lowered;
	[smem:$0x3FD2] =	sst s25  }
0xa6: {  	s5 =	sshll.u32 s26, $0x1;
	_ =	strace $0x80000046;
	[dreg:$0x1] =	wrdreg $0xFFFFFFFF  }
0xa7: {  	s28 =	simm.s32 $_size_execute0_lowered;
	s3 =	sadd.s32 s3, s5;
	[dreg:$0x0] =	wrdreg $0x0  }
0xa8: {  	s5 =	sshll.u32 s28, $0x1;
	[dreg:$0x2] =	wrdreg s3  }
0xa9: {  	[dreg:$0x3] =	wrdreg s5  }
0xaa: {  	[dreg:$0x4] =	wrdreg $0xC0  }
0xab: {  	_ =	task [dreg:s7], $0x5FFFF  }
0xac: {  	[dreg:$0x1] =	wrdreg $0xFFFFFFFF  }
0xad: {  	[dreg:$0x0] =	wrdreg $0x60  }
0xae: {  	[dreg:$0x2] =	wrdreg s24  }
0xaf: {  	[dreg:$0x3] =	wrdreg s2  }
0xb0: {  	[dreg:$0x4] =	wrdreg $0x2B000  }
0xb1: {  	[dreg:$0x5] =	wrdreg $0x9  }
0xb2: {  	_ =	task.clear_ibuf [dreg:s7], $0x6FFFF;
	_ =	strace $0x90000046  }
0xb3: {  	s29 =	simm.s32 $0x9;
	_ =	strace $0x80000048  }
0xb4: {  	_ =	swait.ge [sflag:s29], $0x1  }
0xb5: {  	[sflag:s29] =	ssyncadd.s32 $0xFFFFFFFF  }
0xb6: {  	_ =	strace $0x90000048  }
0xb7: {  	_ =	sfence  }
0xb8: {  	s30 =	sld [smem:$0x0];
	_ =	sdelay $0x2  }
0xb9: {  	s31 =	sshll.u32 s1, $0xD;
	s1 =	sshrl.u32 s1, $0x2  }
0xba: {  	s3 =	sand.u32 $0x4000, s31;
	s1 =	sadd.s32 s1, s30  }
0xbb: {  	s0 =	sor.u32 s3, s0;
	s1 =	sshll.u32 s1, $0x11  }
0xbc: {  	s0 =	sor.u32 s1, s0  }
0xbd: {  	s0 =	sadd.s32 $0x8F2B, s0  }
0xbe: {  	[sflag:s0] =	ssyncadd.remote.s32 $0x1  }
0xbf: {  	_ =	sfence.sel $0xFFFF  }
0xc0: {  	[dreg:$0x0] =	wrdreg $0xFFFFFFFF;
	(pc) =	sbr.abs _section_cstart, $3  }
0xc1: {  	[dreg:$0x1] =	wrdreg $0xFFFFFFFF  }
0xc2: {  	_ =	task.clear_ibuf [dreg:s7], $0x2FFFF;
	_ =	strace $0x9FFFFFFF  }
0xc3: {  	(tm) =	ssettm $0x7FFFFFFF  }
tec
execute0_lowered:
.L_overlay_start_1:
0x0: {  	(tag) =	ssettag $0x1  }
0x1: {  	s4 =	rddreg [dreg:$0x0]  }
0x2: {  	s6 =	rddreg [dreg:$0x1]  }
0x3: {  	s0 =	srdreg.scid;
	s2 =	rddreg [dreg:$0x2]  }
0x4: {  	s3 =	simm.s32 $0x0;
	s11 =	simm.s32 $0x2800;
	s14 =	simm.s32 $0x20  }
0x5: {  	s15 =	simm.s32 $0x10;
	s5 =	sand.u32 $0x1, s0;
	s0 =	stileid.u32  }
0x6: {  	s16 =	simm.s32 $0x0;
	[smem:$0x7FF] =	sst s3;
	s8 =	smul.u32 $0xA00, s0  }
0x7: {  	s1 =	sshll.u32 s5, $0x4;
	s9 =	ssub.s32 $0x2, s5;
	s10 =	smul.u32 $0x500, s0  }
0x8: {  	s5 =	sshll.u32 s5, $0x7;
	s12 =	sshll.u32 s0, $0x6;
	s7 =	sor.u32 s0, s1  }
0x9: {  	s1 =	rddreg [dreg:$0x3];
	_ =	strace $0x80000047;
	s28 =	sshrl.u32 s9, $0x1  }
0xa: {  	s12 =	sor.u32 $0x1C01, s12;
	s7 =	smul.u32 $0x500, s7;
	s9 =	ssub.s32 s9, s28  }
0xb: {  	s29 =	sshrl.u32 s8, $0x2;
	s30 =	sor.u32 s5, s10;
	s8 =	simm.s32 $0x2880  }
0xc: {  	s10 =	simm.s32 $0x80;
	s31 =	sshrl.u32 s30, $0x3;
	s7 =	sadd.s32 s7, s4  }
0xd: {  	s4 =	sadd.s32 s29, s2;
	s6 =	sadd.s32 s6, s31;
	s5 =	sadd.s32 $0x2000, s7  }
0xe: {  	v0 =	vimm.f32 $0.0e+00;
	v1 =	vimm.f32 $1.000000000e+00;
	s7 =	smax.u32 s9, $0x1;
	s9 =	simm.s32 $0x1;
	s13 =	sshrl.u32 s4, $0x3  }
.LBB2_1:
0xf: {  	[tilespmem:$0x2880] =	vst v0  }
0x10: {  	[tilespmem:$0x2890] =	vst v0  }
0x11: {  	[tilespmem:$0x28A0] =	vst v0  }
0x12: {  	[tilespmem:$0x28B0] =	vst v0  }
0x13: {  	[tilespmem:$0x28C0] =	vst v0  }
0x14: {  	[tilespmem:$0x28D0] =	vst v0  }
0x15: {  	[tilespmem:$0x28E0] =	vst v0  }
0x16: {  	[tilespmem:$0x28F0] =	vst v0  }
0x17: {  	[tilespmem:$0x2900] =	vst v0  }
0x18: {  	[tilespmem:$0x2910] =	vst v0  }
0x19: {  	[tilespmem:$0x2920] =	vst v0  }
0x1a: {  	[tilespmem:$0x2930] =	vst v0  }
0x1b: {  	[tilespmem:$0x2940] =	vst v0  }
0x1c: {  	[tilespmem:$0x2950] =	vst v0  }
0x1d: {  	[tilespmem:$0x2960] =	vst v0  }
0x1e: {  	[tilespmem:$0x2970] =	vst v0  }
0x1f: {  	[tilespmem:$0x2980] =	vst v0  }
0x20: {  	[tilespmem:$0x2990] =	vst v0  }
0x21: {  	[tilespmem:$0x29A0] =	vst v0  }
0x22: {  	[tilespmem:$0x29B0] =	vst v0  }
0x23: {  	[tilespmem:$0x29C0] =	vst v0  }
0x24: {  	[tilespmem:$0x29D0] =	vst v0  }
0x25: {  	[tilespmem:$0x29E0] =	vst v0  }
0x26: {  	[tilespmem:$0x29F0] =	vst v0  }
0x27: {  	[tilespmem:$0x2A00] =	vst v0  }
0x28: {  	[tilespmem:$0x2A10] =	vst v0  }
0x29: {  	[tilespmem:$0x2A20] =	vst v0  }
0x2a: {  	[tilespmem:$0x2A30] =	vst v0  }
0x2b: {  	[tilespmem:$0x2A40] =	vst v0  }
0x2c: {  	[tilespmem:$0x2A50] =	vst v0  }
0x2d: {  	[tilespmem:$0x2A60] =	vst v0  }
0x2e: {  	[tilespmem:$0x2A70] =	vst v0  }
0x2f: {  	[tilespmem:$0x2A80] =	vst v0  }
0x30: {  	[tilespmem:$0x2A90] =	vst v0  }
0x31: {  	[tilespmem:$0x2AA0] =	vst v0  }
0x32: {  	[tilespmem:$0x2AB0] =	vst v0  }
0x33: {  	[tilespmem:$0x2AC0] =	vst v0  }
0x34: {  	[tilespmem:$0x2AD0] =	vst v0  }
0x35: {  	[tilespmem:$0x2AE0] =	vst v0  }
0x36: {  	[tilespmem:$0x2AF0] =	vst v0  }
0x37: {  	[tilespmem:$0x2800] =	vst v1  }
0x38: {  	[tilespmem:$0x2810] =	vst v1  }
0x39: {  	[tilespmem:$0x2820] =	vst v1  }
0x3a: {  	[tilespmem:$0x2830] =	vst v1  }
0x3b: {  	[tilespmem:$0x2840] =	vst v1  }
0x3c: {  	[tilespmem:$0x2850] =	vst v1  }
0x3d: {  	[tilespmem:$0x2860] =	vst v1  }
0x3e: {  	[tilespmem:$0x2870] =	vst v1  }
0x3f: {  	[spmem:s4] =	stream.linear.scatter [tilespmem:s8], [sflag:$0x1], $0x280, $0x38;
	[tilespmem:$0x2D80] =	vst v63  }
0x40: {  	_ =	swait.ge [sflag:s9], $0x280  }
0x41: {  	[sflag:s9] =	ssyncset.done $0x0  }
0x42: {  	[sflag:s9] =	ssyncadd.s32 $0xFFFFFD80  }
0x43: {  	[tilespmem:s3], [sflag:$0x1] =	stream.linear.gather [hbm4b:s5+s3], $0x2800, $0x38;
	[tilespmem:$0x2D80] =	vst v63  }
0x44: {  	_ =	swait.ge [sflag:s9], $0x2800  }
0x45: {  	[sflag:s9] =	ssyncset.done $0x0  }
0x46: {  	[sflag:s9] =	ssyncadd.s32 $0xFFFFD800  }
0x47: {  	s17 =	simm.s32 $0x0;
	[bflag:$0x0] =	sbarrier.arrive $0xFFFF  }
0x48: {  	[spmem:s2] =	stream.indirect.scatter.add.f32 [tilespmem:s11], [sflag:$0x1], $0x1, s17, s10, $0xb8;
	[tilespmem:$0x2D80] =	vst v63  }
0x49: {  	_ =	swait.ge [sflag:s9], $0x80  }
0x4a: {  	s17 =	simm.s32 $0x200;
	[sflag:s9] =	ssyncset.done $0x0  }
.LBB2_2:
0x4b: {  	s18 =	sshra.s32 s17, $0x2;
	[sflag:s9] =	ssyncadd.s32 $0xFFFFFF80;
	p0 =	sne.s32 s17, $0x9E00  }
0x4c: {  	[spmem:s2] =	stream.indirect.scatter.add.f32 [tilespmem:s11], [sflag:$0x1], $0x1, s18, s10, $0xb8;
	[tilespmem:$0x2D80] =	vst v63  }
.Ltmp0:
0x4d: {  	_ = 	snop;
	(pc) =	sbr.rel @p0 .LBB2_2-.Ltmp0, $4  }
0x4e: {  	_ = 	snop  }
0x4f: {  	s17 =	sadd.s32 $0x200, s17  }
0x50: {  	_ =	swait.ge [sflag:s9], $0x80  }
0x51: {  	[sflag:s9] =	ssyncset.done $0x0  }
0x52: {  	s16 =	sadd.s32 $0x1, s16  }
0x53: {  	[sflag:s9] =	ssyncadd.s32 $0xFFFFFF80;
	p0 =	sne.s32 s16, s7  }
.Ltmp1:
0x54: {  	[bflag:$0x0] =	sbarrier.arrive $0xFFFF;
	(pc) =	sbr.rel @p0 .LBB2_1-.Ltmp1, $4  }
0x55: {  	[hbm:s6@s14], [sflag:s12] =	dma.strided [spmem:s13@s15], $0x50, s9, $0x10   }
0x56: {  	_ =	swait.ge [sflag:s9], $0x50  }
0x57: {  	[sflag:s9] =	ssyncset.done $0x0  }
0x58: {  	[sflag:s9] =	ssyncadd.s32 $0xFFFFFFB0  }
0x59: {  	_ =	sfence.sel $0x180000  }
0x5a: {  	[bflag:$0x0] =	sbarrier.arrive $0xFFFF  }
0x5b: {  	p0 =	sne.s32 s0, $0x0;
	_ =	strace $0x90000047  }
0x5c: {  	s0 =	sadd.s32 @!p0 $0x100000, s1;
	[bflag:$0x2] =	sbarrier.arrive $0xFFFF  }
0x5d: {  	[sflag:s0] =	ssyncadd.tile.s32 @!p0 $0x1;
	_ =	shalt  }
.Lfunc_end2:
_tile_overlayer_lowered:
.L_overlay_start_2:
0x5e: {  	(tag) =	ssettag $0x2  }
0x5f: {  	s0 =	rddreg [dreg:$0x0];
	s2 =	stileid.u32  }
0x60: {  	s1 =	rddreg [dreg:$0x1];
	p0 =	sne.s32 s2, $0x0  }
0x61: {  	s3 =	rddreg [dreg:$0x2];
	[bflag:$0x3] =	sbarrier.arrive $0xFFFF;
	s2 =	simm.s32 @!p0 $0x1C01  }
0x62: {  	[timem:s3], [sflag:s2] =	dma.local @!p0 [hbm:s0], s1  }
0x63: {  	s0 =	simm.s32 @!p0 $0x1  }
0x64: {  	_ =	swait.ge @!p0 [sflag:s0], s1  }
0x65: {  	s1 =	ssub.s32 @!p0 $0x0, s1;
	[sflag:s0] =	ssyncset.done @!p0 $0x0  }
0x66: {  	[sflag:s0] =	ssyncadd.s32 @!p0 s1  }
0x67: {  	[bflag:$0x3] =	sbarrier.arrive $0xFFFF  }
0x68: {  	_ =	shalt  }

</sc_bundles>
